<compile_context>
chip_gen: v7x
topology: tpu7x:2x2x1
jax: 0.10.2.dev20260603
libtpu: 0.0.44.dev20260713+nightly
codegen_flags: <defaults>
</compile_context>

<pallas_src>
import functools

import jax
import jax.numpy as jnp
from jax import lax
from jax.experimental import pallas as pl
from jax.experimental.pallas import tpu as pltpu
from jax.experimental.pallas import tpu_sc as plsc

N = 10000
E = 320000
D = 128
CLASSES = 20

NC = 2
NS = 16
K = 128
NCT = 80
EPC = NCT * K * NS
EH = E // NC
NTAB = N + 8
NPA = 10240
NPT = NPA // NS
WB = 128
NB = 2
IBR = 40
NIB = NCT // IBR


def _pe_body(x_ref, pe_ref, o_ref):
    o_ref[...] = x_ref[...] + pe_ref[...]


def _sc_prop_body(h_hbm, src_hbm, dst_hbm, zeros_hbm, out_hbm,
                  src_b, dst_b, rows_v, acc_sh, gsem, ssem):
    c = lax.axis_index("c")
    s = lax.axis_index("s")
    tile_row0 = (c * NS + s) * NCT
    nrow0 = s * NPT

    pltpu.sync_copy(zeros_hbm.at[pl.ds(nrow0, NPT)], acc_sh.at[pl.ds(nrow0, NPT)])
    plsc.subcore_barrier()

    def fire_g(q, b):
        pltpu.async_copy(h_hbm.at[src_b.at[q]], rows_v.at[b], gsem.at[b])

    def wait_g(q, b):
        pltpu.make_async_copy(h_hbm.at[src_b.at[q]], rows_v.at[b],
                              gsem.at[b]).wait()

    def fire_s(q, b):
        pltpu.async_copy(rows_v.at[b], acc_sh.at[dst_b.at[q]], ssem.at[b],
                         add=True)

    def wait_s(q, b):
        pltpu.make_async_copy(rows_v.at[b], acc_sh.at[dst_b.at[q]],
                              ssem.at[b]).wait()

    def block(ib, carry):
        r0 = tile_row0 + ib * IBR
        pltpu.sync_copy(src_hbm.at[pl.ds(r0, IBR)], src_b)
        pltpu.sync_copy(dst_hbm.at[pl.ds(r0, IBR)], dst_b)
        for b in range(NB):
            fire_g(b, b)

        def pair(g, c2):
            q0 = 2 * g
            for b in range(NB):
                wait_g(q0 + b, b)
                fire_s(q0 + b, b)
            for b in range(NB):
                wait_s(q0 + b, b)
                fire_g(q0 + NB + b, b)
            return c2

        lax.fori_loop(0, (IBR - NB) // 2, pair, 0)
        for b in range(NB):
            wait_g(IBR - NB + b, b)
            fire_s(IBR - NB + b, b)
            wait_s(IBR - NB + b, b)
        return carry

    lax.fori_loop(0, NIB, block, 0)
    plsc.subcore_barrier()

    out0 = c * NPA + nrow0

    def wb_block(j, carry):
        pltpu.sync_copy(acc_sh.at[pl.ds(nrow0 + j * WB, WB)], rows_v.at[0])
        pltpu.sync_copy(rows_v.at[0], out_hbm.at[pl.ds(out0 + j * WB, WB)])
        return carry

    lax.fori_loop(0, NPT // WB, wb_block, 0)


def _post_body(p0_ref, p1_ref, x_ref, pe_ref, wmi_ref, wmo_ref, ws_ref,
               bi_ref, bo_ref, cin_ref, cout_ref, wdec_ref, bdec_ref,
               logp_ref, emb_ref):
    f32 = jnp.float32
    h = x_ref[...] + pe_ref[...]
    p = p0_ref[0] + p1_ref[0]
    wa = wmi_ref[...] + ws_ref[...]
    wb = wmo_ref[...] + ws_ref[...]
    dn = (((1,), (1,)), ((), ()))
    ic = lax.dot_general(p, wa, dn, precision=lax.Precision.HIGHEST,
                         preferred_element_type=f32) + bi_ref[...]
    oc = lax.dot_general(p, wb, dn, precision=lax.Precision.HIGHEST,
                         preferred_element_type=f32) + bo_ref[...]
    conv = cin_ref[...] * ic + cout_ref[...] * oc
    h2 = jnp.tanh(conv + h)
    logits = lax.dot_general(h2, wdec_ref[...], dn,
                             precision=lax.Precision.HIGHEST,
                             preferred_element_type=f32) + bdec_ref[...]
    m = jnp.max(logits, axis=1, keepdims=True)
    lse = jnp.log(jnp.sum(jnp.exp(logits - m), axis=1, keepdims=True)) + m
    logp_ref[...] = logits - lse
    nrm = jnp.sqrt(jnp.sum(h2 * h2, axis=1, keepdims=True))
    emb_ref[...] = h2 / (nrm + 1e-12)


def _run_sc_prop(h_pad, src2d, dst2d, zeros):
    f32 = jnp.float32
    sc_prop = functools.partial(
        pl.kernel,
        out_type=jax.ShapeDtypeStruct((NC * NPA, D), f32),
        mesh=plsc.VectorSubcoreMesh(core_axis_name="c", subcore_axis_name="s"),
        scratch_types=[
            pltpu.VMEM((IBR, K), jnp.int32),
            pltpu.VMEM((IBR, K), jnp.int32),
            pltpu.VMEM((NB, K, D), f32),
            pltpu.VMEM_SHARED((NPA, D), f32),
            pltpu.SemaphoreType.DMA((NB,)),
            pltpu.SemaphoreType.DMA((NB,)),
        ],
    )(_sc_prop_body)
    return sc_prop(h_pad, src2d, dst2d, zeros)


_ROWS_BLK = 1000
_GRID = N // _ROWS_BLK


def kernel(x, pe_table, W_main_in, W_main_out, W_shared, b_main_in,
           b_main_out, b_shared_in, b_shared_out, C_in_vec, C_out_vec,
           W_dec, b_dec, edge_index):
    f32 = jnp.float32
    pe_flat = pe_table.reshape(1, D).astype(f32)

    h = pl.pallas_call(
        _pe_body,
        grid=(_GRID,),
        in_specs=[
            pl.BlockSpec((_ROWS_BLK, D), lambda i: (i, 0)),
            pl.BlockSpec((1, D), lambda i: (0, 0)),
        ],
        out_specs=pl.BlockSpec((_ROWS_BLK, D), lambda i: (i, 0)),
        out_shape=jax.ShapeDtypeStruct((N, D), f32),
    )(x, pe_flat)

    src = edge_index[0].astype(jnp.int32)
    dst = edge_index[1].astype(jnp.int32)
    pad = EPC - EH
    padsrc = jnp.full((pad,), N, jnp.int32)
    paddst = jnp.full((pad,), N, jnp.int32)
    src2d = jnp.concatenate([src[:EH], padsrc, src[EH:], padsrc]).reshape(-1, K)
    dst2d = jnp.concatenate([dst[:EH], paddst, dst[EH:], paddst]).reshape(-1, K)
    h_pad = jnp.concatenate([h, jnp.zeros((NTAB - N, D), f32)], axis=0)
    zeros = jnp.zeros((NPA, D), f32)

    p01 = _run_sc_prop(h_pad, src2d, dst2d, zeros).reshape(NC, NPA, D)

    cin = C_in_vec.astype(f32)
    cout = C_out_vec.astype(f32)
    row_spec = pl.BlockSpec((_ROWS_BLK, D), lambda i: (i, 0))
    w_spec = pl.BlockSpec((D, D), lambda i: (0, 0))
    b_spec = pl.BlockSpec((1, D), lambda i: (0, 0))
    c_spec = pl.BlockSpec((_ROWS_BLK, 1), lambda i: (i, 0))
    logp, emb = pl.pallas_call(
        _post_body,
        grid=(_GRID,),
        in_specs=[
            pl.BlockSpec((1, _ROWS_BLK, D), lambda i: (0, i, 0)),
            pl.BlockSpec((1, _ROWS_BLK, D), lambda i: (1, i, 0)),
            row_spec,
            b_spec,
            w_spec, w_spec, w_spec,
            b_spec, b_spec,
            c_spec, c_spec,
            pl.BlockSpec((CLASSES, D), lambda i: (0, 0)),
            pl.BlockSpec((1, CLASSES), lambda i: (0, 0)),
        ],
        out_specs=[
            pl.BlockSpec((_ROWS_BLK, CLASSES), lambda i: (i, 0)),
            pl.BlockSpec((_ROWS_BLK, D), lambda i: (i, 0)),
        ],
        out_shape=[
            jax.ShapeDtypeStruct((N, CLASSES), f32),
            jax.ShapeDtypeStruct((N, D), f32),
        ],
    )(p01, p01, x, pe_flat,
      W_main_in, W_main_out, W_shared,
      (b_main_in + b_shared_in).reshape(1, D),
      (b_main_out + b_shared_out).reshape(1, D),
      cin, cout, W_dec, b_dec.reshape(1, CLASSES))
    return (logp, emb)

# --- scband reference (transcript-rebuilt; emitter-appended) ---
"""Pipeline reference for scband-prot-ngram-gcn-77309412201 (READ-ONLY COPY).

The authoritative reference and input builder live on the scoring server;
editing this copy changes nothing except your own understanding.
"""

import jax, jax.numpy as jnp
import numpy as np

N = 10000
E = 320000
D = 128
NGRAM = 4
ONE_GRAM = 32
CLASSES = 20


def setup_inputs(seed: int = 0) -> dict:
    key = jax.random.key(seed)
    ks = jax.random.split(key, 16)
    x = jax.random.normal(ks[0], (N, D), dtype=jnp.float32)
    edge_index = jax.random.randint(ks[1], (2, E), 0, N, dtype=jnp.int64)
    s = 1.0 / np.sqrt(D)
    pe_table = jax.random.normal(ks[2], (NGRAM, ONE_GRAM), dtype=jnp.float32) * 0.02
    W_main_in = jax.random.normal(ks[3], (D, D), dtype=jnp.float32) * s
    W_main_out = jax.random.normal(ks[4], (D, D), dtype=jnp.float32) * s
    W_shared = jax.random.normal(ks[5], (D, D), dtype=jnp.float32) * s
    b_main_in = jnp.zeros((D,), dtype=jnp.float32)
    b_main_out = jnp.zeros((D,), dtype=jnp.float32)
    b_shared_in = jnp.zeros((D,), dtype=jnp.float32)
    b_shared_out = jnp.zeros((D,), dtype=jnp.float32)
    C_in_vec = jnp.ones((N, 1), dtype=jnp.float32)
    C_out_vec = jnp.ones((N, 1), dtype=jnp.float32)
    W_dec = jax.random.normal(ks[6], (CLASSES, D), dtype=jnp.float32) * s
    b_dec = jnp.zeros((CLASSES,), dtype=jnp.float32)
    return {"x": x, "pe_table": pe_table, "W_main_in": W_main_in, "W_main_out": W_main_out, "W_shared": W_shared, "b_main_in": b_main_in, "b_main_out": b_main_out, "b_shared_in": b_shared_in, "b_shared_out": b_shared_out, "C_in_vec": C_in_vec, "C_out_vec": C_out_vec, "W_dec": W_dec, "b_dec": b_dec, "edge_index": edge_index}


def reference(x, pe_table, W_main_in, W_main_out, W_shared, b_main_in, b_main_out, b_shared_in, b_shared_out, C_in_vec, C_out_vec, W_dec, b_dec, edge_index):
    # positional encoding
    xr = x.reshape(-1, NGRAM, ONE_GRAM) + pe_table[None, :, :]
    h = xr.reshape(-1, NGRAM * ONE_GRAM)
    src = edge_index[0]
    dst = edge_index[1]

    def prop(xw):
        # message = x_j (no edge weights); aggr='add' -> scatter-add to dst
        return jax.ops.segment_sum(jnp.take(xw, src, axis=0), dst, num_segments=N)

    # in-direction
    h_main_in = prop(h @ W_main_in.T)
    h_shared_proj = h @ W_shared.T
    h_shared_in = prop(h_shared_proj)
    ic = h_main_in + b_main_in + (h_shared_in + b_shared_in)
    # out-direction (same edge_index, per module's x/edge_index path)
    h_main_out = prop(h @ W_main_out.T)
    h_shared_out = prop(h_shared_proj)
    oc = h_main_out + b_main_out + (h_shared_out + b_shared_out)
    conv = C_in_vec * ic + C_out_vec * oc
    # residual is identity (in_dim == out_dim); dropout inactive (p=0 / eval)
    h2 = jnp.tanh(conv + h)
    logits = h2 @ W_dec.T + b_dec
    logp = jax.nn.log_softmax(logits, axis=-1)
    norm = jnp.sqrt(jnp.sum(h2 * h2, axis=1, keepdims=True))
    emb = h2 / (norm + 1e-12)
    return (logp, emb)

if __name__ == "__main__":
    import jax
    _d = setup_inputs()
    print(jax.jit(kernel)(*tuple(_d.values())))

</pallas_src>

<mosaic_0001>
#map = affine_map<(d0, d1) -> (0, 0)>
module attributes {stable_mosaic.version = 14 : i64} {
  func.func @_sc_prop_body(%arg0: i32, %arg1: i32, %arg2: memref<10008x128xf32, #tpu.memory_space<hbm>>, %arg3: memref<2560x128xi32, #tpu.memory_space<hbm>>, %arg4: memref<2560x128xi32, #tpu.memory_space<hbm>>, %arg5: memref<10240x128xf32, #tpu.memory_space<hbm>>, %arg6: memref<20480x128xf32, #tpu.memory_space<hbm>>, %arg7: memref<40x128xi32, #tpu.memory_space<vmem>>, %arg8: memref<40x128xi32, #tpu.memory_space<vmem>>, %arg9: memref<2x128x128xf32, #tpu.memory_space<vmem>>, %arg10: memref<10240x128xf32, #tpu.memory_space<vmem_shared>>, %arg11: memref<2x!tpu.dma_semaphore, #tpu.memory_space<semaphore_mem>>, %arg12: memref<2x!tpu.dma_semaphore, #tpu.memory_space<semaphore_mem>>) attributes {dimension_semantics = [#tpu.dimension_semantics<core_parallel>, #tpu.dimension_semantics<subcore_parallel>], iteration_bounds = array<i64: 2, 16>, scalar_prefetch = 0 : i64, scratch_operands = 6 : i64, tpu.core_type = #tpu.core_type<sc_vector_subcore>, window_params = [{transform_indices = #map}, {transform_indices = #map}, {transform_indices = #map}, {transform_indices = #map}, {transform_indices = #map}]} {
    %mul3A = arith.constant 16 : i32
    %mul3A_0 = arith.muli %arg0, %mul3A : i32
    %add3A = arith.addi %mul3A_0, %arg1 : i32
    %mul3A_1 = arith.constant 80 : i32
    %mul3A_2 = arith.muli %add3A, %mul3A_1 : i32
    %mul3A_3 = arith.constant 640 : i32
    %mul3A_4 = arith.muli %arg1, %mul3A_3 : i32
    "tpu.region"() ({
      %run_scoped3A = tpu.sem_alloc : memref<!tpu.dma_semaphore, #tpu.memory_space<semaphore_mem>>
      %dma_start3A = arith.constant 0 : i32
      %dma_start3A_20 = tpu.memref_slice %arg10[%mul3A_4, %dma_start3A] : memref<10240x128xf32, #tpu.memory_space<vmem_shared>> -> memref<640x128xf32, #tpu.memory_space<vmem_shared>>
      %dma_start3A_21 = arith.constant 0 : i32
      %dma_start3A_22 = tpu.memref_slice %arg5[%mul3A_4, %dma_start3A_21] : memref<10240x128xf32, #tpu.memory_space<hbm>> -> memref<640x128xf32, #tpu.memory_space<hbm>>
      tpu.enqueue_dma source(%dma_start3A_22 : memref<640x128xf32, #tpu.memory_space<hbm>>) target(%dma_start3A_20 : memref<640x128xf32, #tpu.memory_space<vmem_shared>>) target_semaphore(%run_scoped3A : memref<!tpu.dma_semaphore, #tpu.memory_space<semaphore_mem>>)
      %dma_wait3A = arith.constant 0 : i32
      %dma_wait3A_23 = tpu.memref_slice %arg10[%mul3A_4, %dma_wait3A] : memref<10240x128xf32, #tpu.memory_space<vmem_shared>> -> memref<640x128xf32, #tpu.memory_space<vmem_shared>>
      %dma_wait3A_24 = arith.constant 0 : i32
      %dma_wait3A_25 = tpu.memref_slice %arg5[%mul3A_4, %dma_wait3A_24] : memref<10240x128xf32, #tpu.memory_space<hbm>> -> memref<640x128xf32, #tpu.memory_space<hbm>>
      tpu.wait_dma2 semaphore(%run_scoped3A : memref<!tpu.dma_semaphore, #tpu.memory_space<semaphore_mem>>) src(%dma_wait3A_25 : memref<640x128xf32, #tpu.memory_space<hbm>>) dst(%dma_wait3A_23 : memref<640x128xf32, #tpu.memory_space<vmem_shared>>)
      tpu.yield
    }) : () -> ()
    %barrier3A = arith.constant 0 : index
    tpu.barrier barrier_id(%barrier3A)
    %scan3A = arith.constant 0 : i32
    %scan3A_5 = arith.constant 0 : i32
    %scan3A_6 = arith.constant 2 : i32
    %scan3A_7 = arith.addi %scan3A_5, %scan3A_6 : i32
    %scan3A_8 = arith.constant 1 : i32
    scf.for %scan3A_20 = %scan3A_5 to %scan3A_7 step %scan3A_8  : i32 {
      %mul3A_21 = arith.constant 40 : i32
      %mul3A_22 = arith.muli %scan3A_20, %mul3A_21 : i32
      %add3A_23 = arith.addi %mul3A_2, %mul3A_22 : i32
      "tpu.region"() ({
        %run_scoped3A = tpu.sem_alloc : memref<!tpu.dma_semaphore, #tpu.memory_space<semaphore_mem>>
        %dma_start3A_148 = arith.constant 0 : i32
        %dma_start3A_149 = tpu.memref_slice %arg3[%add3A_23, %dma_start3A_148] : memref<2560x128xi32, #tpu.memory_space<hbm>> -> memref<40x128xi32, #tpu.memory_space<hbm>>
        %dma_start3A_150 = arith.constant 0 : i32
        %dma_start3A_151 = tpu.memref_slice %arg3[%add3A_23, %dma_start3A_150] : memref<2560x128xi32, #tpu.memory_space<hbm>> -> memref<40x128xi32, #tpu.memory_space<hbm>>
        tpu.enqueue_dma source(%dma_start3A_151 : memref<40x128xi32, #tpu.memory_space<hbm>>) target(%arg7 : memref<40x128xi32, #tpu.memory_space<vmem>>) target_semaphore(%run_scoped3A : memref<!tpu.dma_semaphore, #tpu.memory_space<semaphore_mem>>)
        %dma_wait3A_152 = arith.constant 0 : i32
        %dma_wait3A_153 = tpu.memref_slice %arg3[%add3A_23, %dma_wait3A_152] : memref<2560x128xi32, #tpu.memory_space<hbm>> -> memref<40x128xi32, #tpu.memory_space<hbm>>
        %dma_wait3A_154 = arith.constant 0 : i32
        %dma_wait3A_155 = tpu.memref_slice %arg3[%add3A_23, %dma_wait3A_154] : memref<2560x128xi32, #tpu.memory_space<hbm>> -> memref<40x128xi32, #tpu.memory_space<hbm>>
        tpu.wait_dma2 semaphore(%run_scoped3A : memref<!tpu.dma_semaphore, #tpu.memory_space<semaphore_mem>>) src(%dma_wait3A_155 : memref<40x128xi32, #tpu.memory_space<hbm>>) dst(%arg7 : memref<40x128xi32, #tpu.memory_space<vmem>>)
        tpu.yield
      }) : () -> ()
      "tpu.region"() ({
        %run_scoped3A = tpu.sem_alloc : memref<!tpu.dma_semaphore, #tpu.memory_space<semaphore_mem>>
        %dma_start3A_148 = arith.constant 0 : i32
        %dma_start3A_149 = tpu.memref_slice %arg4[%add3A_23, %dma_start3A_148] : memref<2560x128xi32, #tpu.memory_space<hbm>> -> memref<40x128xi32, #tpu.memory_space<hbm>>
        %dma_start3A_150 = arith.constant 0 : i32
        %dma_start3A_151 = tpu.memref_slice %arg4[%add3A_23, %dma_start3A_150] : memref<2560x128xi32, #tpu.memory_space<hbm>> -> memref<40x128xi32, #tpu.memory_space<hbm>>
        tpu.enqueue_dma source(%dma_start3A_151 : memref<40x128xi32, #tpu.memory_space<hbm>>) target(%arg8 : memref<40x128xi32, #tpu.memory_space<vmem>>) target_semaphore(%run_scoped3A : memref<!tpu.dma_semaphore, #tpu.memory_space<semaphore_mem>>)
        %dma_wait3A_152 = arith.constant 0 : i32
        %dma_wait3A_153 = tpu.memref_slice %arg4[%add3A_23, %dma_wait3A_152] : memref<2560x128xi32, #tpu.memory_space<hbm>> -> memref<40x128xi32, #tpu.memory_space<hbm>>
        %dma_wait3A_154 = arith.constant 0 : i32
        %dma_wait3A_155 = tpu.memref_slice %arg4[%add3A_23, %dma_wait3A_154] : memref<2560x128xi32, #tpu.memory_space<hbm>> -> memref<40x128xi32, #tpu.memory_space<hbm>>
        tpu.wait_dma2 semaphore(%run_scoped3A : memref<!tpu.dma_semaphore, #tpu.memory_space<semaphore_mem>>) src(%dma_wait3A_155 : memref<40x128xi32, #tpu.memory_space<hbm>>) dst(%arg8 : memref<40x128xi32, #tpu.memory_space<vmem>>)
        tpu.yield
      }) : () -> ()
      %dma_start3A = arith.constant 0 : i32
      %dma_start3A_24 = arith.constant 0 : i32
      %dma_start3A_25 = arith.constant 0 : i32
      %dma_start3A_26 = arith.constant 0 : i32
      %dma_start3A_27 = arith.constant 0 : i32
      %dma_start3A_28 = tpu.memref_slice %arg9[%dma_start3A_24, %dma_start3A_26, %dma_start3A_27] : memref<2x128x128xf32, #tpu.memory_space<vmem>> -> memref<1x128x128xf32, #tpu.memory_space<vmem>>
      %dma_start3A_29 = tpu.memref_squeeze %dma_start3A_28 : memref<1x128x128xf32, #tpu.memory_space<vmem>> -> memref<128x128xf32, #tpu.memory_space<vmem>>
      %dma_start3A_30 = arith.constant 0 : i32
      %dma_start3A_31 = tpu.memref_slice %arg7[%dma_start3A, %dma_start3A_30] : memref<40x128xi32, #tpu.memory_space<vmem>> -> memref<1x128xi32, #tpu.memory_space<vmem>>
      %dma_start3A_32 = tpu.memref_squeeze %dma_start3A_31 : memref<1x128xi32, #tpu.memory_space<vmem>> -> memref<128xi32, #tpu.memory_space<vmem>>
      %dma_start3A_33 = arith.constant 0 : i32
      %dma_start3A_34 = arith.constant 0 : i32
      %dma_start3A_35 = tpu.memref_slice %arg2[%dma_start3A_33, %dma_start3A_34] : memref<10008x128xf32, #tpu.memory_space<hbm>> -> memref<10008x128xf32, #tpu.memory_space<hbm>>
      %dma_start3A_36 = tpu.memref_slice %arg11[%dma_start3A_25] : memref<2x!tpu.dma_semaphore, #tpu.memory_space<semaphore_mem>> -> memref<1x!tpu.dma_semaphore, #tpu.memory_space<semaphore_mem>>
      %dma_start3A_37 = tpu.memref_squeeze %dma_start3A_36 : memref<1x!tpu.dma_semaphore, #tpu.memory_space<semaphore_mem>> -> memref<!tpu.dma_semaphore, #tpu.memory_space<semaphore_mem>>
      tpu.enqueue_indirect_dma source(%dma_start3A_35 : memref<10008x128xf32, #tpu.memory_space<hbm>>) target(%dma_start3A_29 : memref<128x128xf32, #tpu.memory_space<vmem>>) offsets(%dma_start3A_32 : memref<128xi32, #tpu.memory_space<vmem>>) semaphore(%dma_start3A_37 : memref<!tpu.dma_semaphore, #tpu.memory_space<semaphore_mem>>)
      %dma_start3A_38 = arith.constant 1 : i32
      %dma_start3A_39 = arith.constant 1 : i32
      %dma_start3A_40 = arith.constant 1 : i32
      %dma_start3A_41 = arith.constant 0 : i32
      %dma_start3A_42 = arith.constant 0 : i32
      %dma_start3A_43 = tpu.memref_slice %arg9[%dma_start3A_39, %dma_start3A_41, %dma_start3A_42] : memref<2x128x128xf32, #tpu.memory_space<vmem>> -> memref<1x128x128xf32, #tpu.memory_space<vmem>>
      %dma_start3A_44 = tpu.memref_squeeze %dma_start3A_43 : memref<1x128x128xf32, #tpu.memory_space<vmem>> -> memref<128x128xf32, #tpu.memory_space<vmem>>
      %dma_start3A_45 = arith.constant 0 : i32
      %dma_start3A_46 = tpu.memref_slice %arg7[%dma_start3A_38, %dma_start3A_45] : memref<40x128xi32, #tpu.memory_space<vmem>> -> memref<1x128xi32, #tpu.memory_space<vmem>>
      %dma_start3A_47 = tpu.memref_squeeze %dma_start3A_46 : memref<1x128xi32, #tpu.memory_space<vmem>> -> memref<128xi32, #tpu.memory_space<vmem>>
      %dma_start3A_48 = arith.constant 0 : i32
      %dma_start3A_49 = arith.constant 0 : i32
      %dma_start3A_50 = tpu.memref_slice %arg2[%dma_start3A_48, %dma_start3A_49] : memref<10008x128xf32, #tpu.memory_space<hbm>> -> memref<10008x128xf32, #tpu.memory_space<hbm>>
      %dma_start3A_51 = tpu.memref_slice %arg11[%dma_start3A_40] : memref<2x!tpu.dma_semaphore, #tpu.memory_space<semaphore_mem>> -> memref<1x!tpu.dma_semaphore, #tpu.memory_space<semaphore_mem>>
      %dma_start3A_52 = tpu.memref_squeeze %dma_start3A_51 : memref<1x!tpu.dma_semaphore, #tpu.memory_space<semaphore_mem>> -> memref<!tpu.dma_semaphore, #tpu.memory_space<semaphore_mem>>
      tpu.enqueue_indirect_dma source(%dma_start3A_50 : memref<10008x128xf32, #tpu.memory_space<hbm>>) target(%dma_start3A_44 : memref<128x128xf32, #tpu.memory_space<vmem>>) offsets(%dma_start3A_47 : memref<128xi32, #tpu.memory_space<vmem>>) semaphore(%dma_start3A_52 : memref<!tpu.dma_semaphore, #tpu.memory_space<semaphore_mem>>)
      %scan3A_53 = arith.constant 0 : i32
      %scan3A_54 = arith.constant 0 : i32
      %scan3A_55 = arith.constant 19 : i32
      %scan3A_56 = arith.addi %scan3A_54, %scan3A_55 : i32
      %scan3A_57 = arith.constant 1 : i32
      scf.for %scan3A_148 = %scan3A_54 to %scan3A_56 step %scan3A_57  : i32 {
        %mul3A_149 = arith.constant 2 : i32
        %mul3A_150 = arith.muli %mul3A_149, %scan3A_148 : i32
        %add3A_151 = arith.constant 0 : i32
        %add3A_152 = arith.addi %mul3A_150, %add3A_151 : i32
        %dma_wait3A_153 = arith.constant 0 : i32
        %dma_wait3A_154 = arith.constant 0 : i32
        %dma_wait3A_155 = arith.constant 0 : i32
        %dma_wait3A_156 = arith.constant 0 : i32
        %dma_wait3A_157 = tpu.memref_slice %arg9[%dma_wait3A_153, %dma_wait3A_155, %dma_wait3A_156] : memref<2x128x128xf32, #tpu.memory_space<vmem>> -> memref<1x128x128xf32, #tpu.memory_space<vmem>>
        %dma_wait3A_158 = tpu.memref_squeeze %dma_wait3A_157 : memref<1x128x128xf32, #tpu.memory_space<vmem>> -> memref<128x128xf32, #tpu.memory_space<vmem>>
        %dma_wait3A_159 = arith.constant 0 : i32
        %dma_wait3A_160 = tpu.memref_slice %arg7[%add3A_152, %dma_wait3A_159] : memref<40x128xi32, #tpu.memory_space<vmem>> -> memref<1x128xi32, #tpu.memory_space<vmem>>
        %dma_wait3A_161 = tpu.memref_squeeze %dma_wait3A_160 : memref<1x128xi32, #tpu.memory_space<vmem>> -> memref<128xi32, #tpu.memory_space<vmem>>
        %dma_wait3A_162 = arith.constant 0 : i32
        %dma_wait3A_163 = arith.constant 0 : i32
        %dma_wait3A_164 = tpu.memref_slice %arg2[%dma_wait3A_162, %dma_wait3A_163] : memref<10008x128xf32, #tpu.memory_space<hbm>> -> memref<10008x128xf32, #tpu.memory_space<hbm>>
        %dma_wait3A_165 = tpu.memref_slice %arg11[%dma_wait3A_154] : memref<2x!tpu.dma_semaphore, #tpu.memory_space<semaphore_mem>> -> memref<1x!tpu.dma_semaphore, #tpu.memory_space<semaphore_mem>>
        %dma_wait3A_166 = tpu.memref_squeeze %dma_wait3A_165 : memref<1x!tpu.dma_semaphore, #tpu.memory_space<semaphore_mem>> -> memref<!tpu.dma_semaphore, #tpu.memory_space<semaphore_mem>>
        tpu.wait_indirect_dma semaphore(%dma_wait3A_166 : memref<!tpu.dma_semaphore, #tpu.memory_space<semaphore_mem>>) src(%dma_wait3A_164 : memref<10008x128xf32, #tpu.memory_space<hbm>>) dst(%dma_wait3A_158 : memref<128x128xf32, #tpu.memory_space<vmem>>)
        %add3A_167 = arith.constant 0 : i32
        %add3A_168 = arith.addi %mul3A_150, %add3A_167 : i32
        %dma_start3A_169 = arith.constant 0 : i32
        %dma_start3A_170 = arith.constant 0 : i32
        %dma_start3A_171 = arith.constant 0 : i32
        %dma_start3A_172 = arith.constant 0 : i32
        %dma_start3A_173 = tpu.memref_slice %arg9[%dma_start3A_169, %dma_start3A_171, %dma_start3A_172] : memref<2x128x128xf32, #tpu.memory_space<vmem>> -> memref<1x128x128xf32, #tpu.memory_space<vmem>>
        %dma_start3A_174 = tpu.memref_squeeze %dma_start3A_173 : memref<1x128x128xf32, #tpu.memory_space<vmem>> -> memref<128x128xf32, #tpu.memory_space<vmem>>
        %dma_start3A_175 = arith.constant 0 : i32
        %dma_start3A_176 = tpu.memref_slice %arg8[%add3A_168, %dma_start3A_175] : memref<40x128xi32, #tpu.memory_space<vmem>> -> memref<1x128xi32, #tpu.memory_space<vmem>>
        %dma_start3A_177 = tpu.memref_squeeze %dma_start3A_176 : memref<1x128xi32, #tpu.memory_space<vmem>> -> memref<128xi32, #tpu.memory_space<vmem>>
        %dma_start3A_178 = arith.constant 0 : i32
        %dma_start3A_179 = arith.constant 0 : i32
        %dma_start3A_180 = tpu.memref_slice %arg10[%dma_start3A_178, %dma_start3A_179] : memref<10240x128xf32, #tpu.memory_space<vmem_shared>> -> memref<10240x128xf32, #tpu.memory_space<vmem_shared>>
        %dma_start3A_181 = tpu.memref_slice %arg12[%dma_start3A_170] : memref<2x!tpu.dma_semaphore, #tpu.memory_space<semaphore_mem>> -> memref<1x!tpu.dma_semaphore, #tpu.memory_space<semaphore_mem>>
        %dma_start3A_182 = tpu.memref_squeeze %dma_start3A_181 : memref<1x!tpu.dma_semaphore, #tpu.memory_space<semaphore_mem>> -> memref<!tpu.dma_semaphore, #tpu.memory_space<semaphore_mem>>
        tpu.enqueue_indirect_dma source(%dma_start3A_174 : memref<128x128xf32, #tpu.memory_space<vmem>>) target(%dma_start3A_180 : memref<10240x128xf32, #tpu.memory_space<vmem_shared>>) offsets(%dma_start3A_177 : memref<128xi32, #tpu.memory_space<vmem>>) semaphore(%dma_start3A_182 : memref<!tpu.dma_semaphore, #tpu.memory_space<semaphore_mem>>) {add = true}
        %add3A_183 = arith.constant 1 : i32
        %add3A_184 = arith.addi %mul3A_150, %add3A_183 : i32
        %dma_wait3A_185 = arith.constant 1 : i32
        %dma_wait3A_186 = arith.constant 1 : i32
        %dma_wait3A_187 = arith.constant 0 : i32
        %dma_wait3A_188 = arith.constant 0 : i32
        %dma_wait3A_189 = tpu.memref_slice %arg9[%dma_wait3A_185, %dma_wait3A_187, %dma_wait3A_188] : memref<2x128x128xf32, #tpu.memory_space<vmem>> -> memref<1x128x128xf32, #tpu.memory_space<vmem>>
        %dma_wait3A_190 = tpu.memref_squeeze %dma_wait3A_189 : memref<1x128x128xf32, #tpu.memory_space<vmem>> -> memref<128x128xf32, #tpu.memory_space<vmem>>
        %dma_wait3A_191 = arith.constant 0 : i32
        %dma_wait3A_192 = tpu.memref_slice %arg7[%add3A_184, %dma_wait3A_191] : memref<40x128xi32, #tpu.memory_space<vmem>> -> memref<1x128xi32, #tpu.memory_space<vmem>>
        %dma_wait3A_193 = tpu.memref_squeeze %dma_wait3A_192 : memref<1x128xi32, #tpu.memory_space<vmem>> -> memref<128xi32, #tpu.memory_space<vmem>>
        %dma_wait3A_194 = arith.constant 0 : i32
        %dma_wait3A_195 = arith.constant 0 : i32
        %dma_wait3A_196 = tpu.memref_slice %arg2[%dma_wait3A_194, %dma_wait3A_195] : memref<10008x128xf32, #tpu.memory_space<hbm>> -> memref<10008x128xf32, #tpu.memory_space<hbm>>
        %dma_wait3A_197 = tpu.memref_slice %arg11[%dma_wait3A_186] : memref<2x!tpu.dma_semaphore, #tpu.memory_space<semaphore_mem>> -> memref<1x!tpu.dma_semaphore, #tpu.memory_space<semaphore_mem>>
        %dma_wait3A_198 = tpu.memref_squeeze %dma_wait3A_197 : memref<1x!tpu.dma_semaphore, #tpu.memory_space<semaphore_mem>> -> memref<!tpu.dma_semaphore, #tpu.memory_space<semaphore_mem>>
        tpu.wait_indirect_dma semaphore(%dma_wait3A_198 : memref<!tpu.dma_semaphore, #tpu.memory_space<semaphore_mem>>) src(%dma_wait3A_196 : memref<10008x128xf32, #tpu.memory_space<hbm>>) dst(%dma_wait3A_190 : memref<128x128xf32, #tpu.memory_space<vmem>>)
        %add3A_199 = arith.constant 1 : i32
        %add3A_200 = arith.addi %mul3A_150, %add3A_199 : i32
        %dma_start3A_201 = arith.constant 1 : i32
        %dma_start3A_202 = arith.constant 1 : i32
        %dma_start3A_203 = arith.constant 0 : i32
        %dma_start3A_204 = arith.constant 0 : i32
        %dma_start3A_205 = tpu.memref_slice %arg9[%dma_start3A_201, %dma_start3A_203, %dma_start3A_204] : memref<2x128x128xf32, #tpu.memory_space<vmem>> -> memref<1x128x128xf32, #tpu.memory_space<vmem>>
        %dma_start3A_206 = tpu.memref_squeeze %dma_start3A_205 : memref<1x128x128xf32, #tpu.memory_space<vmem>> -> memref<128x128xf32, #tpu.memory_space<vmem>>
        %dma_start3A_207 = arith.constant 0 : i32
        %dma_start3A_208 = tpu.memref_slice %arg8[%add3A_200, %dma_start3A_207] : memref<40x128xi32, #tpu.memory_space<vmem>> -> memref<1x128xi32, #tpu.memory_space<vmem>>
        %dma_start3A_209 = tpu.memref_squeeze %dma_start3A_208 : memref<1x128xi32, #tpu.memory_space<vmem>> -> memref<128xi32, #tpu.memory_space<vmem>>
        %dma_start3A_210 = arith.constant 0 : i32
        %dma_start3A_211 = arith.constant 0 : i32
        %dma_start3A_212 = tpu.memref_slice %arg10[%dma_start3A_210, %dma_start3A_211] : memref<10240x128xf32, #tpu.memory_space<vmem_shared>> -> memref<10240x128xf32, #tpu.memory_space<vmem_shared>>
        %dma_start3A_213 = tpu.memref_slice %arg12[%dma_start3A_202] : memref<2x!tpu.dma_semaphore, #tpu.memory_space<semaphore_mem>> -> memref<1x!tpu.dma_semaphore, #tpu.memory_space<semaphore_mem>>
        %dma_start3A_214 = tpu.memref_squeeze %dma_start3A_213 : memref<1x!tpu.dma_semaphore, #tpu.memory_space<semaphore_mem>> -> memref<!tpu.dma_semaphore, #tpu.memory_space<semaphore_mem>>
        tpu.enqueue_indirect_dma source(%dma_start3A_206 : memref<128x128xf32, #tpu.memory_space<vmem>>) target(%dma_start3A_212 : memref<10240x128xf32, #tpu.memory_space<vmem_shared>>) offsets(%dma_start3A_209 : memref<128xi32, #tpu.memory_space<vmem>>) semaphore(%dma_start3A_214 : memref<!tpu.dma_semaphore, #tpu.memory_space<semaphore_mem>>) {add = true}
        %add3A_215 = arith.constant 0 : i32
        %add3A_216 = arith.addi %mul3A_150, %add3A_215 : i32
        %dma_wait3A_217 = arith.constant 0 : i32
        %dma_wait3A_218 = arith.constant 0 : i32
        %dma_wait3A_219 = arith.constant 0 : i32
        %dma_wait3A_220 = arith.constant 0 : i32
        %dma_wait3A_221 = tpu.memref_slice %arg9[%dma_wait3A_217, %dma_wait3A_219, %dma_wait3A_220] : memref<2x128x128xf32, #tpu.memory_space<vmem>> -> memref<1x128x128xf32, #tpu.memory_space<vmem>>
        %dma_wait3A_222 = tpu.memref_squeeze %dma_wait3A_221 : memref<1x128x128xf32, #tpu.memory_space<vmem>> -> memref<128x128xf32, #tpu.memory_space<vmem>>
        %dma_wait3A_223 = arith.constant 0 : i32
        %dma_wait3A_224 = tpu.memref_slice %arg8[%add3A_216, %dma_wait3A_223] : memref<40x128xi32, #tpu.memory_space<vmem>> -> memref<1x128xi32, #tpu.memory_space<vmem>>
        %dma_wait3A_225 = tpu.memref_squeeze %dma_wait3A_224 : memref<1x128xi32, #tpu.memory_space<vmem>> -> memref<128xi32, #tpu.memory_space<vmem>>
        %dma_wait3A_226 = arith.constant 0 : i32
        %dma_wait3A_227 = arith.constant 0 : i32
        %dma_wait3A_228 = tpu.memref_slice %arg10[%dma_wait3A_226, %dma_wait3A_227] : memref<10240x128xf32, #tpu.memory_space<vmem_shared>> -> memref<10240x128xf32, #tpu.memory_space<vmem_shared>>
        %dma_wait3A_229 = tpu.memref_slice %arg12[%dma_wait3A_218] : memref<2x!tpu.dma_semaphore, #tpu.memory_space<semaphore_mem>> -> memref<1x!tpu.dma_semaphore, #tpu.memory_space<semaphore_mem>>
        %dma_wait3A_230 = tpu.memref_squeeze %dma_wait3A_229 : memref<1x!tpu.dma_semaphore, #tpu.memory_space<semaphore_mem>> -> memref<!tpu.dma_semaphore, #tpu.memory_space<semaphore_mem>>
        tpu.wait_indirect_dma semaphore(%dma_wait3A_230 : memref<!tpu.dma_semaphore, #tpu.memory_space<semaphore_mem>>) src(%dma_wait3A_222 : memref<128x128xf32, #tpu.memory_space<vmem>>) dst(%dma_wait3A_228 : memref<10240x128xf32, #tpu.memory_space<vmem_shared>>)
        %add3A_231 = arith.constant 2 : i32
        %add3A_232 = arith.addi %mul3A_150, %add3A_231 : i32
        %add3A_233 = arith.constant 0 : i32
        %add3A_234 = arith.addi %add3A_232, %add3A_233 : i32
        %dma_start3A_235 = arith.constant 0 : i32
        %dma_start3A_236 = arith.constant 0 : i32
        %dma_start3A_237 = arith.constant 0 : i32
        %dma_start3A_238 = arith.constant 0 : i32
        %dma_start3A_239 = tpu.memref_slice %arg9[%dma_start3A_235, %dma_start3A_237, %dma_start3A_238] : memref<2x128x128xf32, #tpu.memory_space<vmem>> -> memref<1x128x128xf32, #tpu.memory_space<vmem>>
        %dma_start3A_240 = tpu.memref_squeeze %dma_start3A_239 : memref<1x128x128xf32, #tpu.memory_space<vmem>> -> memref<128x128xf32, #tpu.memory_space<vmem>>
        %dma_start3A_241 = arith.constant 0 : i32
        %dma_start3A_242 = tpu.memref_slice %arg7[%add3A_234, %dma_start3A_241] : memref<40x128xi32, #tpu.memory_space<vmem>> -> memref<1x128xi32, #tpu.memory_space<vmem>>
        %dma_start3A_243 = tpu.memref_squeeze %dma_start3A_242 : memref<1x128xi32, #tpu.memory_space<vmem>> -> memref<128xi32, #tpu.memory_space<vmem>>
        %dma_start3A_244 = arith.constant 0 : i32
        %dma_start3A_245 = arith.constant 0 : i32
        %dma_start3A_246 = tpu.memref_slice %arg2[%dma_start3A_244, %dma_start3A_245] : memref<10008x128xf32, #tpu.memory_space<hbm>> -> memref<10008x128xf32, #tpu.memory_space<hbm>>
        %dma_start3A_247 = tpu.memref_slice %arg11[%dma_start3A_236] : memref<2x!tpu.dma_semaphore, #tpu.memory_space<semaphore_mem>> -> memref<1x!tpu.dma_semaphore, #tpu.memory_space<semaphore_mem>>
        %dma_start3A_248 = tpu.memref_squeeze %dma_start3A_247 : memref<1x!tpu.dma_semaphore, #tpu.memory_space<semaphore_mem>> -> memref<!tpu.dma_semaphore, #tpu.memory_space<semaphore_mem>>
        tpu.enqueue_indirect_dma source(%dma_start3A_246 : memref<10008x128xf32, #tpu.memory_space<hbm>>) target(%dma_start3A_240 : memref<128x128xf32, #tpu.memory_space<vmem>>) offsets(%dma_start3A_243 : memref<128xi32, #tpu.memory_space<vmem>>) semaphore(%dma_start3A_248 : memref<!tpu.dma_semaphore, #tpu.memory_space<semaphore_mem>>)
        %add3A_249 = arith.constant 1 : i32
        %add3A_250 = arith.addi %mul3A_150, %add3A_249 : i32
        %dma_wait3A_251 = arith.constant 1 : i32
        %dma_wait3A_252 = arith.constant 1 : i32
        %dma_wait3A_253 = arith.constant 0 : i32
        %dma_wait3A_254 = arith.constant 0 : i32
        %dma_wait3A_255 = tpu.memref_slice %arg9[%dma_wait3A_251, %dma_wait3A_253, %dma_wait3A_254] : memref<2x128x128xf32, #tpu.memory_space<vmem>> -> memref<1x128x128xf32, #tpu.memory_space<vmem>>
        %dma_wait3A_256 = tpu.memref_squeeze %dma_wait3A_255 : memref<1x128x128xf32, #tpu.memory_space<vmem>> -> memref<128x128xf32, #tpu.memory_space<vmem>>
        %dma_wait3A_257 = arith.constant 0 : i32
        %dma_wait3A_258 = tpu.memref_slice %arg8[%add3A_250, %dma_wait3A_257] : memref<40x128xi32, #tpu.memory_space<vmem>> -> memref<1x128xi32, #tpu.memory_space<vmem>>
        %dma_wait3A_259 = tpu.memref_squeeze %dma_wait3A_258 : memref<1x128xi32, #tpu.memory_space<vmem>> -> memref<128xi32, #tpu.memory_space<vmem>>
        %dma_wait3A_260 = arith.constant 0 : i32
        %dma_wait3A_261 = arith.constant 0 : i32
        %dma_wait3A_262 = tpu.memref_slice %arg10[%dma_wait3A_260, %dma_wait3A_261] : memref<10240x128xf32, #tpu.memory_space<vmem_shared>> -> memref<10240x128xf32, #tpu.memory_space<vmem_shared>>
        %dma_wait3A_263 = tpu.memref_slice %arg12[%dma_wait3A_252] : memref<2x!tpu.dma_semaphore, #tpu.memory_space<semaphore_mem>> -> memref<1x!tpu.dma_semaphore, #tpu.memory_space<semaphore_mem>>
        %dma_wait3A_264 = tpu.memref_squeeze %dma_wait3A_263 : memref<1x!tpu.dma_semaphore, #tpu.memory_space<semaphore_mem>> -> memref<!tpu.dma_semaphore, #tpu.memory_space<semaphore_mem>>
        tpu.wait_indirect_dma semaphore(%dma_wait3A_264 : memref<!tpu.dma_semaphore, #tpu.memory_space<semaphore_mem>>) src(%dma_wait3A_256 : memref<128x128xf32, #tpu.memory_space<vmem>>) dst(%dma_wait3A_262 : memref<10240x128xf32, #tpu.memory_space<vmem_shared>>)
        %add3A_265 = arith.constant 2 : i32
        %add3A_266 = arith.addi %mul3A_150, %add3A_265 : i32
        %add3A_267 = arith.constant 1 : i32
        %add3A_268 = arith.addi %add3A_266, %add3A_267 : i32
        %dma_start3A_269 = arith.constant 1 : i32
        %dma_start3A_270 = arith.constant 1 : i32
        %dma_start3A_271 = arith.constant 0 : i32
        %dma_start3A_272 = arith.constant 0 : i32
        %dma_start3A_273 = tpu.memref_slice %arg9[%dma_start3A_269, %dma_start3A_271, %dma_start3A_272] : memref<2x128x128xf32, #tpu.memory_space<vmem>> -> memref<1x128x128xf32, #tpu.memory_space<vmem>>
        %dma_start3A_274 = tpu.memref_squeeze %dma_start3A_273 : memref<1x128x128xf32, #tpu.memory_space<vmem>> -> memref<128x128xf32, #tpu.memory_space<vmem>>
        %dma_start3A_275 = arith.constant 0 : i32
        %dma_start3A_276 = tpu.memref_slice %arg7[%add3A_268, %dma_start3A_275] : memref<40x128xi32, #tpu.memory_space<vmem>> -> memref<1x128xi32, #tpu.memory_space<vmem>>
        %dma_start3A_277 = tpu.memref_squeeze %dma_start3A_276 : memref<1x128xi32, #tpu.memory_space<vmem>> -> memref<128xi32, #tpu.memory_space<vmem>>
        %dma_start3A_278 = arith.constant 0 : i32
        %dma_start3A_279 = arith.constant 0 : i32
        %dma_start3A_280 = tpu.memref_slice %arg2[%dma_start3A_278, %dma_start3A_279] : memref<10008x128xf32, #tpu.memory_space<hbm>> -> memref<10008x128xf32, #tpu.memory_space<hbm>>
        %dma_start3A_281 = tpu.memref_slice %arg11[%dma_start3A_270] : memref<2x!tpu.dma_semaphore, #tpu.memory_space<semaphore_mem>> -> memref<1x!tpu.dma_semaphore, #tpu.memory_space<semaphore_mem>>
        %dma_start3A_282 = tpu.memref_squeeze %dma_start3A_281 : memref<1x!tpu.dma_semaphore, #tpu.memory_space<semaphore_mem>> -> memref<!tpu.dma_semaphore, #tpu.memory_space<semaphore_mem>>
        tpu.enqueue_indirect_dma source(%dma_start3A_280 : memref<10008x128xf32, #tpu.memory_space<hbm>>) target(%dma_start3A_274 : memref<128x128xf32, #tpu.memory_space<vmem>>) offsets(%dma_start3A_277 : memref<128xi32, #tpu.memory_space<vmem>>) semaphore(%dma_start3A_282 : memref<!tpu.dma_semaphore, #tpu.memory_space<semaphore_mem>>)
      }
      %scan3A_58 = arith.constant 19 : i32
      %dma_wait3A = arith.constant 38 : i32
      %dma_wait3A_59 = arith.constant 0 : i32
      %dma_wait3A_60 = arith.constant 0 : i32
      %dma_wait3A_61 = arith.constant 0 : i32
      %dma_wait3A_62 = arith.constant 0 : i32
      %dma_wait3A_63 = tpu.memref_slice %arg9[%dma_wait3A_59, %dma_wait3A_61, %dma_wait3A_62] : memref<2x128x128xf32, #tpu.memory_space<vmem>> -> memref<1x128x128xf32, #tpu.memory_space<vmem>>
      %dma_wait3A_64 = tpu.memref_squeeze %dma_wait3A_63 : memref<1x128x128xf32, #tpu.memory_space<vmem>> -> memref<128x128xf32, #tpu.memory_space<vmem>>
      %dma_wait3A_65 = arith.constant 0 : i32
      %dma_wait3A_66 = tpu.memref_slice %arg7[%dma_wait3A, %dma_wait3A_65] : memref<40x128xi32, #tpu.memory_space<vmem>> -> memref<1x128xi32, #tpu.memory_space<vmem>>
      %dma_wait3A_67 = tpu.memref_squeeze %dma_wait3A_66 : memref<1x128xi32, #tpu.memory_space<vmem>> -> memref<128xi32, #tpu.memory_space<vmem>>
      %dma_wait3A_68 = arith.constant 0 : i32
      %dma_wait3A_69 = arith.constant 0 : i32
      %dma_wait3A_70 = tpu.memref_slice %arg2[%dma_wait3A_68, %dma_wait3A_69] : memref<10008x128xf32, #tpu.memory_space<hbm>> -> memref<10008x128xf32, #tpu.memory_space<hbm>>
      %dma_wait3A_71 = tpu.memref_slice %arg11[%dma_wait3A_60] : memref<2x!tpu.dma_semaphore, #tpu.memory_space<semaphore_mem>> -> memref<1x!tpu.dma_semaphore, #tpu.memory_space<semaphore_mem>>
      %dma_wait3A_72 = tpu.memref_squeeze %dma_wait3A_71 : memref<1x!tpu.dma_semaphore, #tpu.memory_space<semaphore_mem>> -> memref<!tpu.dma_semaphore, #tpu.memory_space<semaphore_mem>>
      tpu.wait_indirect_dma semaphore(%dma_wait3A_72 : memref<!tpu.dma_semaphore, #tpu.memory_space<semaphore_mem>>) src(%dma_wait3A_70 : memref<10008x128xf32, #tpu.memory_space<hbm>>) dst(%dma_wait3A_64 : memref<128x128xf32, #tpu.memory_space<vmem>>)
      %dma_start3A_73 = arith.constant 0 : i32
      %dma_start3A_74 = arith.constant 38 : i32
      %dma_start3A_75 = arith.constant 0 : i32
      %dma_start3A_76 = arith.constant 0 : i32
      %dma_start3A_77 = arith.constant 0 : i32
      %dma_start3A_78 = tpu.memref_slice %arg9[%dma_start3A_73, %dma_start3A_76, %dma_start3A_77] : memref<2x128x128xf32, #tpu.memory_space<vmem>> -> memref<1x128x128xf32, #tpu.memory_space<vmem>>
      %dma_start3A_79 = tpu.memref_squeeze %dma_start3A_78 : memref<1x128x128xf32, #tpu.memory_space<vmem>> -> memref<128x128xf32, #tpu.memory_space<vmem>>
      %dma_start3A_80 = arith.constant 0 : i32
      %dma_start3A_81 = tpu.memref_slice %arg8[%dma_start3A_74, %dma_start3A_80] : memref<40x128xi32, #tpu.memory_space<vmem>> -> memref<1x128xi32, #tpu.memory_space<vmem>>
      %dma_start3A_82 = tpu.memref_squeeze %dma_start3A_81 : memref<1x128xi32, #tpu.memory_space<vmem>> -> memref<128xi32, #tpu.memory_space<vmem>>
      %dma_start3A_83 = arith.constant 0 : i32
      %dma_start3A_84 = arith.constant 0 : i32
      %dma_start3A_85 = tpu.memref_slice %arg10[%dma_start3A_83, %dma_start3A_84] : memref<10240x128xf32, #tpu.memory_space<vmem_shared>> -> memref<10240x128xf32, #tpu.memory_space<vmem_shared>>
      %dma_start3A_86 = tpu.memref_slice %arg12[%dma_start3A_75] : memref<2x!tpu.dma_semaphore, #tpu.memory_space<semaphore_mem>> -> memref<1x!tpu.dma_semaphore, #tpu.memory_space<semaphore_mem>>
      %dma_start3A_87 = tpu.memref_squeeze %dma_start3A_86 : memref<1x!tpu.dma_semaphore, #tpu.memory_space<semaphore_mem>> -> memref<!tpu.dma_semaphore, #tpu.memory_space<semaphore_mem>>
      tpu.enqueue_indirect_dma source(%dma_start3A_79 : memref<128x128xf32, #tpu.memory_space<vmem>>) target(%dma_start3A_85 : memref<10240x128xf32, #tpu.memory_space<vmem_shared>>) offsets(%dma_start3A_82 : memref<128xi32, #tpu.memory_space<vmem>>) semaphore(%dma_start3A_87 : memref<!tpu.dma_semaphore, #tpu.memory_space<semaphore_mem>>) {add = true}
      %dma_wait3A_88 = arith.constant 0 : i32
      %dma_wait3A_89 = arith.constant 38 : i32
      %dma_wait3A_90 = arith.constant 0 : i32
      %dma_wait3A_91 = arith.constant 0 : i32
      %dma_wait3A_92 = arith.constant 0 : i32
      %dma_wait3A_93 = tpu.memref_slice %arg9[%dma_wait3A_88, %dma_wait3A_91, %dma_wait3A_92] : memref<2x128x128xf32, #tpu.memory_space<vmem>> -> memref<1x128x128xf32, #tpu.memory_space<vmem>>
      %dma_wait3A_94 = tpu.memref_squeeze %dma_wait3A_93 : memref<1x128x128xf32, #tpu.memory_space<vmem>> -> memref<128x128xf32, #tpu.memory_space<vmem>>
      %dma_wait3A_95 = arith.constant 0 : i32
      %dma_wait3A_96 = tpu.memref_slice %arg8[%dma_wait3A_89, %dma_wait3A_95] : memref<40x128xi32, #tpu.memory_space<vmem>> -> memref<1x128xi32, #tpu.memory_space<vmem>>
      %dma_wait3A_97 = tpu.memref_squeeze %dma_wait3A_96 : memref<1x128xi32, #tpu.memory_space<vmem>> -> memref<128xi32, #tpu.memory_space<vmem>>
      %dma_wait3A_98 = arith.constant 0 : i32
      %dma_wait3A_99 = arith.constant 0 : i32
      %dma_wait3A_100 = tpu.memref_slice %arg10[%dma_wait3A_98, %dma_wait3A_99] : memref<10240x128xf32, #tpu.memory_space<vmem_shared>> -> memref<10240x128xf32, #tpu.memory_space<vmem_shared>>
      %dma_wait3A_101 = tpu.memref_slice %arg12[%dma_wait3A_90] : memref<2x!tpu.dma_semaphore, #tpu.memory_space<semaphore_mem>> -> memref<1x!tpu.dma_semaphore, #tpu.memory_space<semaphore_mem>>
      %dma_wait3A_102 = tpu.memref_squeeze %dma_wait3A_101 : memref<1x!tpu.dma_semaphore, #tpu.memory_space<semaphore_mem>> -> memref<!tpu.dma_semaphore, #tpu.memory_space<semaphore_mem>>
      tpu.wait_indirect_dma semaphore(%dma_wait3A_102 : memref<!tpu.dma_semaphore, #tpu.memory_space<semaphore_mem>>) src(%dma_wait3A_94 : memref<128x128xf32, #tpu.memory_space<vmem>>) dst(%dma_wait3A_100 : memref<10240x128xf32, #tpu.memory_space<vmem_shared>>)
      %dma_wait3A_103 = arith.constant 39 : i32
      %dma_wait3A_104 = arith.constant 1 : i32
      %dma_wait3A_105 = arith.constant 1 : i32
      %dma_wait3A_106 = arith.constant 0 : i32
      %dma_wait3A_107 = arith.constant 0 : i32
      %dma_wait3A_108 = tpu.memref_slice %arg9[%dma_wait3A_104, %dma_wait3A_106, %dma_wait3A_107] : memref<2x128x128xf32, #tpu.memory_space<vmem>> -> memref<1x128x128xf32, #tpu.memory_space<vmem>>
      %dma_wait3A_109 = tpu.memref_squeeze %dma_wait3A_108 : memref<1x128x128xf32, #tpu.memory_space<vmem>> -> memref<128x128xf32, #tpu.memory_space<vmem>>
      %dma_wait3A_110 = arith.constant 0 : i32
      %dma_wait3A_111 = tpu.memref_slice %arg7[%dma_wait3A_103, %dma_wait3A_110] : memref<40x128xi32, #tpu.memory_space<vmem>> -> memref<1x128xi32, #tpu.memory_space<vmem>>
      %dma_wait3A_112 = tpu.memref_squeeze %dma_wait3A_111 : memref<1x128xi32, #tpu.memory_space<vmem>> -> memref<128xi32, #tpu.memory_space<vmem>>
      %dma_wait3A_113 = arith.constant 0 : i32
      %dma_wait3A_114 = arith.constant 0 : i32
      %dma_wait3A_115 = tpu.memref_slice %arg2[%dma_wait3A_113, %dma_wait3A_114] : memref<10008x128xf32, #tpu.memory_space<hbm>> -> memref<10008x128xf32, #tpu.memory_space<hbm>>
      %dma_wait3A_116 = tpu.memref_slice %arg11[%dma_wait3A_105] : memref<2x!tpu.dma_semaphore, #tpu.memory_space<semaphore_mem>> -> memref<1x!tpu.dma_semaphore, #tpu.memory_space<semaphore_mem>>
      %dma_wait3A_117 = tpu.memref_squeeze %dma_wait3A_116 : memref<1x!tpu.dma_semaphore, #tpu.memory_space<semaphore_mem>> -> memref<!tpu.dma_semaphore, #tpu.memory_space<semaphore_mem>>
      tpu.wait_indirect_dma semaphore(%dma_wait3A_117 : memref<!tpu.dma_semaphore, #tpu.memory_space<semaphore_mem>>) src(%dma_wait3A_115 : memref<10008x128xf32, #tpu.memory_space<hbm>>) dst(%dma_wait3A_109 : memref<128x128xf32, #tpu.memory_space<vmem>>)
      %dma_start3A_118 = arith.constant 1 : i32
      %dma_start3A_119 = arith.constant 39 : i32
      %dma_start3A_120 = arith.constant 1 : i32
      %dma_start3A_121 = arith.constant 0 : i32
      %dma_start3A_122 = arith.constant 0 : i32
      %dma_start3A_123 = tpu.memref_slice %arg9[%dma_start3A_118, %dma_start3A_121, %dma_start3A_122] : memref<2x128x128xf32, #tpu.memory_space<vmem>> -> memref<1x128x128xf32, #tpu.memory_space<vmem>>
      %dma_start3A_124 = tpu.memref_squeeze %dma_start3A_123 : memref<1x128x128xf32, #tpu.memory_space<vmem>> -> memref<128x128xf32, #tpu.memory_space<vmem>>
      %dma_start3A_125 = arith.constant 0 : i32
      %dma_start3A_126 = tpu.memref_slice %arg8[%dma_start3A_119, %dma_start3A_125] : memref<40x128xi32, #tpu.memory_space<vmem>> -> memref<1x128xi32, #tpu.memory_space<vmem>>
      %dma_start3A_127 = tpu.memref_squeeze %dma_start3A_126 : memref<1x128xi32, #tpu.memory_space<vmem>> -> memref<128xi32, #tpu.memory_space<vmem>>
      %dma_start3A_128 = arith.constant 0 : i32
      %dma_start3A_129 = arith.constant 0 : i32
      %dma_start3A_130 = tpu.memref_slice %arg10[%dma_start3A_128, %dma_start3A_129] : memref<10240x128xf32, #tpu.memory_space<vmem_shared>> -> memref<10240x128xf32, #tpu.memory_space<vmem_shared>>
      %dma_start3A_131 = tpu.memref_slice %arg12[%dma_start3A_120] : memref<2x!tpu.dma_semaphore, #tpu.memory_space<semaphore_mem>> -> memref<1x!tpu.dma_semaphore, #tpu.memory_space<semaphore_mem>>
      %dma_start3A_132 = tpu.memref_squeeze %dma_start3A_131 : memref<1x!tpu.dma_semaphore, #tpu.memory_space<semaphore_mem>> -> memref<!tpu.dma_semaphore, #tpu.memory_space<semaphore_mem>>
      tpu.enqueue_indirect_dma source(%dma_start3A_124 : memref<128x128xf32, #tpu.memory_space<vmem>>) target(%dma_start3A_130 : memref<10240x128xf32, #tpu.memory_space<vmem_shared>>) offsets(%dma_start3A_127 : memref<128xi32, #tpu.memory_space<vmem>>) semaphore(%dma_start3A_132 : memref<!tpu.dma_semaphore, #tpu.memory_space<semaphore_mem>>) {add = true}
      %dma_wait3A_133 = arith.constant 1 : i32
      %dma_wait3A_134 = arith.constant 39 : i32
      %dma_wait3A_135 = arith.constant 1 : i32
      %dma_wait3A_136 = arith.constant 0 : i32
      %dma_wait3A_137 = arith.constant 0 : i32
      %dma_wait3A_138 = tpu.memref_slice %arg9[%dma_wait3A_133, %dma_wait3A_136, %dma_wait3A_137] : memref<2x128x128xf32, #tpu.memory_space<vmem>> -> memref<1x128x128xf32, #tpu.memory_space<vmem>>
      %dma_wait3A_139 = tpu.memref_squeeze %dma_wait3A_138 : memref<1x128x128xf32, #tpu.memory_space<vmem>> -> memref<128x128xf32, #tpu.memory_space<vmem>>
      %dma_wait3A_140 = arith.constant 0 : i32
      %dma_wait3A_141 = tpu.memref_slice %arg8[%dma_wait3A_134, %dma_wait3A_140] : memref<40x128xi32, #tpu.memory_space<vmem>> -> memref<1x128xi32, #tpu.memory_space<vmem>>
      %dma_wait3A_142 = tpu.memref_squeeze %dma_wait3A_141 : memref<1x128xi32, #tpu.memory_space<vmem>> -> memref<128xi32, #tpu.memory_space<vmem>>
      %dma_wait3A_143 = arith.constant 0 : i32
      %dma_wait3A_144 = arith.constant 0 : i32
      %dma_wait3A_145 = tpu.memref_slice %arg10[%dma_wait3A_143, %dma_wait3A_144] : memref<10240x128xf32, #tpu.memory_space<vmem_shared>> -> memref<10240x128xf32, #tpu.memory_space<vmem_shared>>
      %dma_wait3A_146 = tpu.memref_slice %arg12[%dma_wait3A_135] : memref<2x!tpu.dma_semaphore, #tpu.memory_space<semaphore_mem>> -> memref<1x!tpu.dma_semaphore, #tpu.memory_space<semaphore_mem>>
      %dma_wait3A_147 = tpu.memref_squeeze %dma_wait3A_146 : memref<1x!tpu.dma_semaphore, #tpu.memory_space<semaphore_mem>> -> memref<!tpu.dma_semaphore, #tpu.memory_space<semaphore_mem>>
      tpu.wait_indirect_dma semaphore(%dma_wait3A_147 : memref<!tpu.dma_semaphore, #tpu.memory_space<semaphore_mem>>) src(%dma_wait3A_139 : memref<128x128xf32, #tpu.memory_space<vmem>>) dst(%dma_wait3A_145 : memref<10240x128xf32, #tpu.memory_space<vmem_shared>>)
    }
    %scan3A_9 = arith.constant 2 : i32
    %barrier3A_10 = arith.constant 0 : index
    tpu.barrier barrier_id(%barrier3A_10)
    %mul3A_11 = arith.constant 10240 : i32
    %mul3A_12 = arith.muli %arg0, %mul3A_11 : i32
    %add3A_13 = arith.addi %mul3A_12, %mul3A_4 : i32
    %scan3A_14 = arith.constant 0 : i32
    %scan3A_15 = arith.constant 0 : i32
    %scan3A_16 = arith.constant 5 : i32
    %scan3A_17 = arith.addi %scan3A_15, %scan3A_16 : i32
    %scan3A_18 = arith.constant 1 : i32
    scf.for %scan3A_20 = %scan3A_15 to %scan3A_17 step %scan3A_18  : i32 {
      %mul3A_21 = arith.constant 128 : i32
      %mul3A_22 = arith.muli %scan3A_20, %mul3A_21 : i32
      %add3A_23 = arith.addi %mul3A_4, %mul3A_22 : i32
      %run_scoped3A = arith.constant 0 : i32
      "tpu.region"() ({
        %run_scoped3A_28 = tpu.sem_alloc : memref<!tpu.dma_semaphore, #tpu.memory_space<semaphore_mem>>
        %dma_start3A = arith.constant 0 : i32
        %dma_start3A_29 = arith.constant 0 : i32
        %dma_start3A_30 = tpu.memref_slice %arg9[%run_scoped3A, %dma_start3A, %dma_start3A_29] : memref<2x128x128xf32, #tpu.memory_space<vmem>> -> memref<1x128x128xf32, #tpu.memory_space<vmem>>
        %dma_start3A_31 = tpu.memref_squeeze %dma_start3A_30 : memref<1x128x128xf32, #tpu.memory_space<vmem>> -> memref<128x128xf32, #tpu.memory_space<vmem>>
        %dma_start3A_32 = arith.constant 0 : i32
        %dma_start3A_33 = tpu.memref_slice %arg10[%add3A_23, %dma_start3A_32] : memref<10240x128xf32, #tpu.memory_space<vmem_shared>> -> memref<128x128xf32, #tpu.memory_space<vmem_shared>>
        %dma_start3A_34 = arith.constant 0 : i32
        %dma_start3A_35 = arith.constant 0 : i32
        %dma_start3A_36 = tpu.memref_slice %arg9[%run_scoped3A, %dma_start3A_34, %dma_start3A_35] : memref<2x128x128xf32, #tpu.memory_space<vmem>> -> memref<1x128x128xf32, #tpu.memory_space<vmem>>
        %dma_start3A_37 = tpu.memref_squeeze %dma_start3A_36 : memref<1x128x128xf32, #tpu.memory_space<vmem>> -> memref<128x128xf32, #tpu.memory_space<vmem>>
        %dma_start3A_38 = arith.constant 0 : i32
        %dma_start3A_39 = tpu.memref_slice %arg10[%add3A_23, %dma_start3A_38] : memref<10240x128xf32, #tpu.memory_space<vmem_shared>> -> memref<128x128xf32, #tpu.memory_space<vmem_shared>>
        tpu.enqueue_dma source(%dma_start3A_39 : memref<128x128xf32, #tpu.memory_space<vmem_shared>>) target(%dma_start3A_37 : memref<128x128xf32, #tpu.memory_space<vmem>>) target_semaphore(%run_scoped3A_28 : memref<!tpu.dma_semaphore, #tpu.memory_space<semaphore_mem>>)
        %dma_wait3A = arith.constant 0 : i32
        %dma_wait3A_40 = arith.constant 0 : i32
        %dma_wait3A_41 = tpu.memref_slice %arg9[%run_scoped3A, %dma_wait3A, %dma_wait3A_40] : memref<2x128x128xf32, #tpu.memory_space<vmem>> -> memref<1x128x128xf32, #tpu.memory_space<vmem>>
        %dma_wait3A_42 = tpu.memref_squeeze %dma_wait3A_41 : memref<1x128x128xf32, #tpu.memory_space<vmem>> -> memref<128x128xf32, #tpu.memory_space<vmem>>
        %dma_wait3A_43 = arith.constant 0 : i32
        %dma_wait3A_44 = tpu.memref_slice %arg10[%add3A_23, %dma_wait3A_43] : memref<10240x128xf32, #tpu.memory_space<vmem_shared>> -> memref<128x128xf32, #tpu.memory_space<vmem_shared>>
        %dma_wait3A_45 = arith.constant 0 : i32
        %dma_wait3A_46 = arith.constant 0 : i32
        %dma_wait3A_47 = tpu.memref_slice %arg9[%run_scoped3A, %dma_wait3A_45, %dma_wait3A_46] : memref<2x128x128xf32, #tpu.memory_space<vmem>> -> memref<1x128x128xf32, #tpu.memory_space<vmem>>
        %dma_wait3A_48 = tpu.memref_squeeze %dma_wait3A_47 : memref<1x128x128xf32, #tpu.memory_space<vmem>> -> memref<128x128xf32, #tpu.memory_space<vmem>>
        %dma_wait3A_49 = arith.constant 0 : i32
        %dma_wait3A_50 = tpu.memref_slice %arg10[%add3A_23, %dma_wait3A_49] : memref<10240x128xf32, #tpu.memory_space<vmem_shared>> -> memref<128x128xf32, #tpu.memory_space<vmem_shared>>
        tpu.wait_dma2 semaphore(%run_scoped3A_28 : memref<!tpu.dma_semaphore, #tpu.memory_space<semaphore_mem>>) src(%dma_wait3A_50 : memref<128x128xf32, #tpu.memory_space<vmem_shared>>) dst(%dma_wait3A_48 : memref<128x128xf32, #tpu.memory_space<vmem>>)
        tpu.yield
      }) : () -> ()
      %mul3A_24 = arith.constant 128 : i32
      %mul3A_25 = arith.muli %scan3A_20, %mul3A_24 : i32
      %add3A_26 = arith.addi %add3A_13, %mul3A_25 : i32
      %run_scoped3A_27 = arith.constant 0 : i32
      "tpu.region"() ({
        %run_scoped3A_28 = tpu.sem_alloc : memref<!tpu.dma_semaphore, #tpu.memory_space<semaphore_mem>>
        %dma_start3A = arith.constant 0 : i32
        %dma_start3A_29 = arith.constant 0 : i32
        %dma_start3A_30 = tpu.memref_slice %arg9[%run_scoped3A_27, %dma_start3A, %dma_start3A_29] : memref<2x128x128xf32, #tpu.memory_space<vmem>> -> memref<1x128x128xf32, #tpu.memory_space<vmem>>
        %dma_start3A_31 = tpu.memref_squeeze %dma_start3A_30 : memref<1x128x128xf32, #tpu.memory_space<vmem>> -> memref<128x128xf32, #tpu.memory_space<vmem>>
        %dma_start3A_32 = arith.constant 0 : i32
        %dma_start3A_33 = tpu.memref_slice %arg6[%add3A_26, %dma_start3A_32] : memref<20480x128xf32, #tpu.memory_space<hbm>> -> memref<128x128xf32, #tpu.memory_space<hbm>>
        %dma_start3A_34 = arith.constant 0 : i32
        %dma_start3A_35 = tpu.memref_slice %arg6[%add3A_26, %dma_start3A_34] : memref<20480x128xf32, #tpu.memory_space<hbm>> -> memref<128x128xf32, #tpu.memory_space<hbm>>
        %dma_start3A_36 = arith.constant 0 : i32
        %dma_start3A_37 = arith.constant 0 : i32
        %dma_start3A_38 = tpu.memref_slice %arg9[%run_scoped3A_27, %dma_start3A_36, %dma_start3A_37] : memref<2x128x128xf32, #tpu.memory_space<vmem>> -> memref<1x128x128xf32, #tpu.memory_space<vmem>>
        %dma_start3A_39 = tpu.memref_squeeze %dma_start3A_38 : memref<1x128x128xf32, #tpu.memory_space<vmem>> -> memref<128x128xf32, #tpu.memory_space<vmem>>
        tpu.enqueue_dma source(%dma_start3A_39 : memref<128x128xf32, #tpu.memory_space<vmem>>) target(%dma_start3A_35 : memref<128x128xf32, #tpu.memory_space<hbm>>) target_semaphore(%run_scoped3A_28 : memref<!tpu.dma_semaphore, #tpu.memory_space<semaphore_mem>>)
        %dma_wait3A = arith.constant 0 : i32
        %dma_wait3A_40 = arith.constant 0 : i32
        %dma_wait3A_41 = tpu.memref_slice %arg9[%run_scoped3A_27, %dma_wait3A, %dma_wait3A_40] : memref<2x128x128xf32, #tpu.memory_space<vmem>> -> memref<1x128x128xf32, #tpu.memory_space<vmem>>
        %dma_wait3A_42 = tpu.memref_squeeze %dma_wait3A_41 : memref<1x128x128xf32, #tpu.memory_space<vmem>> -> memref<128x128xf32, #tpu.memory_space<vmem>>
        %dma_wait3A_43 = arith.constant 0 : i32
        %dma_wait3A_44 = tpu.memref_slice %arg6[%add3A_26, %dma_wait3A_43] : memref<20480x128xf32, #tpu.memory_space<hbm>> -> memref<128x128xf32, #tpu.memory_space<hbm>>
        %dma_wait3A_45 = arith.constant 0 : i32
        %dma_wait3A_46 = tpu.memref_slice %arg6[%add3A_26, %dma_wait3A_45] : memref<20480x128xf32, #tpu.memory_space<hbm>> -> memref<128x128xf32, #tpu.memory_space<hbm>>
        %dma_wait3A_47 = arith.constant 0 : i32
        %dma_wait3A_48 = arith.constant 0 : i32
        %dma_wait3A_49 = tpu.memref_slice %arg9[%run_scoped3A_27, %dma_wait3A_47, %dma_wait3A_48] : memref<2x128x128xf32, #tpu.memory_space<vmem>> -> memref<1x128x128xf32, #tpu.memory_space<vmem>>
        %dma_wait3A_50 = tpu.memref_squeeze %dma_wait3A_49 : memref<1x128x128xf32, #tpu.memory_space<vmem>> -> memref<128x128xf32, #tpu.memory_space<vmem>>
        tpu.wait_dma2 semaphore(%run_scoped3A_28 : memref<!tpu.dma_semaphore, #tpu.memory_space<semaphore_mem>>) src(%dma_wait3A_50 : memref<128x128xf32, #tpu.memory_space<vmem>>) dst(%dma_wait3A_46 : memref<128x128xf32, #tpu.memory_space<hbm>>)
        tpu.yield
      }) : () -> ()
    }
    %scan3A_19 = arith.constant 5 : i32
    return
  }
}

module attributes {stable_mosaic.version = 14 : i64} {
  func.func @_pe_body(%arg0: i32, %arg1: memref<1000x128xf32, #tpu.memory_space<vmem>>, %arg2: memref<1x128xf32, #tpu.memory_space<vmem>>, %arg3: memref<1000x128xf32, #tpu.memory_space<vmem>>) attributes {dimension_semantics = [#tpu.dimension_semantics<arbitrary>], iteration_bounds = array<i64: 10>, scalar_prefetch = 0 : i64, scratch_operands = 0 : i64, tpu.core_type = #tpu.core_type<tc>, window_params = [{transform_indices = @transform_0, window_bounds = array<i64: 1000, 128>}, {pipeline_mode = #tpu.pipeline_mode<synchronous>, transform_indices = @transform_1, window_bounds = array<i64: 1, 128>}, {transform_indices = @transform_2, window_bounds = array<i64: 1000, 128>}]} {
    %get3A = arith.constant 0 : index
    %get3A_0 = arith.constant 0 : index
    %get3A_1 = vector.load %arg1[%get3A, %get3A_0] : memref<1000x128xf32, #tpu.memory_space<vmem>>, vector<1000x128xf32>
    %get3A_2 = arith.constant 0 : index
    %get3A_3 = arith.constant 0 : index
    %get3A_4 = vector.load %arg2[%get3A_2, %get3A_3] : memref<1x128xf32, #tpu.memory_space<vmem>>, vector<1x128xf32>
    %add3A = vector.broadcast %get3A_4 : vector<1x128xf32> to vector<1000x128xf32>
    %add3A_5 = arith.addf %get3A_1, %add3A : vector<1000x128xf32>
    %swap3A = arith.constant 0 : index
    %swap3A_6 = arith.constant 0 : index
    %swap3A_7 = vector.load %arg3[%swap3A, %swap3A_6] : memref<1000x128xf32, #tpu.memory_space<vmem>>, vector<1000x128xf32>
    tpu.vector_store %arg3[%swap3A, %swap3A_6], %add3A_5 {strides = array<i32>} : memref<1000x128xf32, #tpu.memory_space<vmem>>, vector<1000x128xf32>,
    return
  }
  func.func @transform_0(%arg0: i32) -> (i32, i32) {
    %c0_i32 = arith.constant 0 : i32
    %c0_i32_0 = arith.constant 0 : i32
    return %arg0, %c0_i32 : i32, i32
  }
  func.func @transform_1(%arg0: i32) -> (i32, i32) {
    %c0_i32 = arith.constant 0 : i32
    %c0_i32_0 = arith.constant 0 : i32
    %c0_i32_1 = arith.constant 0 : i32
    return %c0_i32, %c0_i32_0 : i32, i32
  }
  func.func @transform_2(%arg0: i32) -> (i32, i32) {
    %c0_i32 = arith.constant 0 : i32
    %c0_i32_0 = arith.constant 0 : i32
    return %arg0, %c0_i32 : i32, i32
  }
}

module attributes {stable_mosaic.version = 14 : i64} {
  func.func @_post_body(%arg0: i32, %arg1: memref<1x1000x128xf32, #tpu.memory_space<vmem>>, %arg2: memref<1x1000x128xf32, #tpu.memory_space<vmem>>, %arg3: memref<1000x128xf32, #tpu.memory_space<vmem>>, %arg4: memref<1x128xf32, #tpu.memory_space<vmem>>, %arg5: memref<128x128xf32, #tpu.memory_space<vmem>>, %arg6: memref<128x128xf32, #tpu.memory_space<vmem>>, %arg7: memref<128x128xf32, #tpu.memory_space<vmem>>, %arg8: memref<1x128xf32, #tpu.memory_space<vmem>>, %arg9: memref<1x128xf32, #tpu.memory_space<vmem>>, %arg10: memref<1000x1xf32, #tpu.memory_space<vmem>>, %arg11: memref<1000x1xf32, #tpu.memory_space<vmem>>, %arg12: memref<20x128xf32, #tpu.memory_space<vmem>>, %arg13: memref<1x20xf32, #tpu.memory_space<vmem>>, %arg14: memref<1000x20xf32, #tpu.memory_space<vmem>>, %arg15: memref<1000x128xf32, #tpu.memory_space<vmem>>) attributes {dimension_semantics = [#tpu.dimension_semantics<arbitrary>], iteration_bounds = array<i64: 10>, scalar_prefetch = 0 : i64, scratch_operands = 0 : i64, tpu.core_type = #tpu.core_type<tc>, window_params = [{transform_indices = @transform_0, window_bounds = array<i64: 1, 1000, 128>}, {transform_indices = @transform_1, window_bounds = array<i64: 1, 1000, 128>}, {transform_indices = @transform_2, window_bounds = array<i64: 1000, 128>}, {pipeline_mode = #tpu.pipeline_mode<synchronous>, transform_indices = @transform_3, window_bounds = array<i64: 1, 128>}, {pipeline_mode = #tpu.pipeline_mode<synchronous>, transform_indices = @transform_4, window_bounds = array<i64: 128, 128>}, {pipeline_mode = #tpu.pipeline_mode<synchronous>, transform_indices = @transform_5, window_bounds = array<i64: 128, 128>}, {pipeline_mode = #tpu.pipeline_mode<synchronous>, transform_indices = @transform_6, window_bounds = array<i64: 128, 128>}, {pipeline_mode = #tpu.pipeline_mode<synchronous>, transform_indices = @transform_7, window_bounds = array<i64: 1, 128>}, {pipeline_mode = #tpu.pipeline_mode<synchronous>, transform_indices = @transform_8, window_bounds = array<i64: 1, 128>}, {transform_indices = @transform_9, window_bounds = array<i64: 1000, 1>}, {transform_indices = @transform_10, window_bounds = array<i64: 1000, 1>}, {pipeline_mode = #tpu.pipeline_mode<synchronous>, transform_indices = @transform_11, window_bounds = array<i64: 20, 128>}, {pipeline_mode = #tpu.pipeline_mode<synchronous>, transform_indices = @transform_12, window_bounds = array<i64: 1, 20>}, {transform_indices = @transform_13, window_bounds = array<i64: 1000, 20>}, {transform_indices = @transform_14, window_bounds = array<i64: 1000, 128>}]} {
    %get3A = arith.constant 0 : index
    %get3A_0 = arith.constant 0 : index
    %get3A_1 = vector.load %arg3[%get3A, %get3A_0] : memref<1000x128xf32, #tpu.memory_space<vmem>>, vector<1000x128xf32>
    %get3A_2 = arith.constant 0 : index
    %get3A_3 = arith.constant 0 : index
    %get3A_4 = vector.load %arg4[%get3A_2, %get3A_3] : memref<1x128xf32, #tpu.memory_space<vmem>>, vector<1x128xf32>
    %add3A = vector.broadcast %get3A_4 : vector<1x128xf32> to vector<1000x128xf32>
    %add3A_5 = arith.addf %get3A_1, %add3A : vector<1000x128xf32>
    %get3A_6 = arith.constant 0 : index
    %get3A_7 = arith.constant 0 : index
    %get3A_8 = arith.constant 0 : index
    %get3A_9 = vector.load %arg1[%get3A_6, %get3A_7, %get3A_8] : memref<1x1000x128xf32, #tpu.memory_space<vmem>>, vector<1x1000x128xf32>
    %get3A_10 = vector.shape_cast %get3A_9 : vector<1x1000x128xf32> to vector<1000x128xf32>
    %get3A_11 = arith.constant 0 : index
    %get3A_12 = arith.constant 0 : index
    %get3A_13 = arith.constant 0 : index
    %get3A_14 = vector.load %arg2[%get3A_11, %get3A_12, %get3A_13] : memref<1x1000x128xf32, #tpu.memory_space<vmem>>, vector<1x1000x128xf32>
    %get3A_15 = vector.shape_cast %get3A_14 : vector<1x1000x128xf32> to vector<1000x128xf32>
    %add3A_16 = arith.addf %get3A_10, %get3A_15 : vector<1000x128xf32>
    %get3A_17 = arith.constant 0 : index
    %get3A_18 = arith.constant 0 : index
    %get3A_19 = vector.load %arg5[%get3A_17, %get3A_18] : memref<128x128xf32, #tpu.memory_space<vmem>>, vector<128x128xf32>
    %get3A_20 = arith.constant 0 : index
    %get3A_21 = arith.constant 0 : index
    %get3A_22 = vector.load %arg7[%get3A_20, %get3A_21] : memref<128x128xf32, #tpu.memory_space<vmem>>, vector<128x128xf32>
    %add3A_23 = arith.addf %get3A_19, %get3A_22 : vector<128x128xf32>
    %get3A_24 = arith.constant 0 : index
    %get3A_25 = arith.constant 0 : index
    %get3A_26 = vector.load %arg6[%get3A_24, %get3A_25] : memref<128x128xf32, #tpu.memory_space<vmem>>, vector<128x128xf32>
    %get3A_27 = arith.constant 0 : index
    %get3A_28 = arith.constant 0 : index
    %get3A_29 = vector.load %arg7[%get3A_27, %get3A_28] : memref<128x128xf32, #tpu.memory_space<vmem>>, vector<128x128xf32>
    %add3A_30 = arith.addf %get3A_26, %get3A_29 : vector<128x128xf32>
    %dot_general3A = arith.constant dense<0.000000e+00> : vector<1000x128xf32>
    %dot_general3A_31 = tpu.matmul %add3A_16, %add3A_23, %dot_general3A {dimension_numbers = #tpu.dot_dimension_numbers<[1], [1], [0], [0], [0, 0, 1, 0], [], []>, precision = #tpu.contract_precision<fp32>, transpose_lhs_hint = false} : vector<1000x128xf32>, vector<128x128xf32>, vector<1000x128xf32> -> vector<1000x128xf32>
    %get3A_32 = arith.constant 0 : index
    %get3A_33 = arith.constant 0 : index
    %get3A_34 = vector.load %arg8[%get3A_32, %get3A_33] : memref<1x128xf32, #tpu.memory_space<vmem>>, vector<1x128xf32>
    %add3A_35 = vector.broadcast %get3A_34 : vector<1x128xf32> to vector<1000x128xf32>
    %add3A_36 = arith.addf %dot_general3A_31, %add3A_35 : vector<1000x128xf32>
    %dot_general3A_37 = arith.constant dense<0.000000e+00> : vector<1000x128xf32>
    %dot_general3A_38 = tpu.matmul %add3A_16, %add3A_30, %dot_general3A_37 {dimension_numbers = #tpu.dot_dimension_numbers<[1], [1], [0], [0], [0, 0, 1, 0], [], []>, precision = #tpu.contract_precision<fp32>, transpose_lhs_hint = false} : vector<1000x128xf32>, vector<128x128xf32>, vector<1000x128xf32> -> vector<1000x128xf32>
    %get3A_39 = arith.constant 0 : index
    %get3A_40 = arith.constant 0 : index
    %get3A_41 = vector.load %arg9[%get3A_39, %get3A_40] : memref<1x128xf32, #tpu.memory_space<vmem>>, vector<1x128xf32>
    %add3A_42 = vector.broadcast %get3A_41 : vector<1x128xf32> to vector<1000x128xf32>
    %add3A_43 = arith.addf %dot_general3A_38, %add3A_42 : vector<1000x128xf32>
    %get3A_44 = arith.constant 0 : index
    %get3A_45 = arith.constant 0 : index
    %get3A_46 = vector.load %arg10[%get3A_44, %get3A_45] : memref<1000x1xf32, #tpu.memory_space<vmem>>, vector<1000x1xf32>
    %mul3A = vector.broadcast %get3A_46 : vector<1000x1xf32> to vector<1000x128xf32>
    %mul3A_47 = arith.mulf %mul3A, %add3A_36 : vector<1000x128xf32>
    %get3A_48 = arith.constant 0 : index
    %get3A_49 = arith.constant 0 : index
    %get3A_50 = vector.load %arg11[%get3A_48, %get3A_49] : memref<1000x1xf32, #tpu.memory_space<vmem>>, vector<1000x1xf32>
    %mul3A_51 = vector.broadcast %get3A_50 : vector<1000x1xf32> to vector<1000x128xf32>
    %mul3A_52 = arith.mulf %mul3A_51, %add3A_43 : vector<1000x128xf32>
    %add3A_53 = arith.addf %mul3A_47, %mul3A_52 : vector<1000x128xf32>
    %add3A_54 = arith.addf %add3A_53, %add3A_5 : vector<1000x128xf32>
    %tanh3A = math.tanh %add3A_54 : vector<1000x128xf32>
    %get3A_55 = arith.constant 0 : index
    %get3A_56 = arith.constant 0 : index
    %get3A_57 = vector.load %arg12[%get3A_55, %get3A_56] : memref<20x128xf32, #tpu.memory_space<vmem>>, vector<20x128xf32>
    %dot_general3A_58 = arith.constant dense<0.000000e+00> : vector<1000x20xf32>
    %dot_general3A_59 = tpu.matmul %tanh3A, %get3A_57, %dot_general3A_58 {dimension_numbers = #tpu.dot_dimension_numbers<[1], [1], [0], [0], [0, 0, 1, 0], [], []>, precision = #tpu.contract_precision<fp32>, transpose_lhs_hint = false} : vector<1000x128xf32>, vector<20x128xf32>, vector<1000x20xf32> -> vector<1000x20xf32>
    %get3A_60 = arith.constant 0 : index
    %get3A_61 = arith.constant 0 : index
    %get3A_62 = vector.load %arg13[%get3A_60, %get3A_61] : memref<1x20xf32, #tpu.memory_space<vmem>>, vector<1x20xf32>
    %add3A_63 = vector.broadcast %get3A_62 : vector<1x20xf32> to vector<1000x20xf32>
    %add3A_64 = arith.addf %dot_general3A_59, %add3A_63 : vector<1000x20xf32>
    %reduce_max3A = arith.constant dense<0xFF800000> : vector<1000xf32>
    %reduce_max3A_65 = vector.multi_reduction <maximumf>, %add3A_64, %reduce_max3A [1] : vector<1000x20xf32> to vector<1000xf32>
    %broadcast_in_dim3A = vector.shape_cast %reduce_max3A_65 : vector<1000xf32> to vector<1000x1xf32>
    %sub3A = vector.broadcast %broadcast_in_dim3A : vector<1000x1xf32> to vector<1000x20xf32>
    %sub3A_66 = arith.subf %add3A_64, %sub3A : vector<1000x20xf32>
    %exp3A = math.exp %sub3A_66 : vector<1000x20xf32>
    %reduce_sum3A = arith.constant dense<0.000000e+00> : vector<1000xf32>
    %reduce_sum3A_67 = vector.multi_reduction <add>, %exp3A, %reduce_sum3A [1] : vector<1000x20xf32> to vector<1000xf32>
    %broadcast_in_dim3A_68 = vector.shape_cast %reduce_sum3A_67 : vector<1000xf32> to vector<1000x1xf32>
    %log3A = math.log %broadcast_in_dim3A_68 : vector<1000x1xf32>
    %add3A_69 = arith.addf %log3A, %broadcast_in_dim3A : vector<1000x1xf32>
    %sub3A_70 = vector.broadcast %add3A_69 : vector<1000x1xf32> to vector<1000x20xf32>
    %sub3A_71 = arith.subf %add3A_64, %sub3A_70 : vector<1000x20xf32>
    %swap3A = arith.constant 0 : index
    %swap3A_72 = arith.constant 0 : index
    %swap3A_73 = vector.load %arg14[%swap3A, %swap3A_72] : memref<1000x20xf32, #tpu.memory_space<vmem>>, vector<1000x20xf32>
    tpu.vector_store %arg14[%swap3A, %swap3A_72], %sub3A_71 {strides = array<i32>} : memref<1000x20xf32, #tpu.memory_space<vmem>>, vector<1000x20xf32>,
    %mul3A_74 = arith.mulf %tanh3A, %tanh3A : vector<1000x128xf32>
    %reduce_sum3A_75 = arith.constant dense<0.000000e+00> : vector<1000xf32>
    %reduce_sum3A_76 = vector.multi_reduction <add>, %mul3A_74, %reduce_sum3A_75 [1] : vector<1000x128xf32> to vector<1000xf32>
    %broadcast_in_dim3A_77 = vector.shape_cast %reduce_sum3A_76 : vector<1000xf32> to vector<1000x1xf32>
    %sqrt3A = math.sqrt %broadcast_in_dim3A_77 : vector<1000x1xf32>
    %add3A_78 = arith.constant 9.99999996E-13 : f32
    %add3A_79 = vector.broadcast %add3A_78 : f32 to vector<1000x1xf32>
    %add3A_80 = arith.addf %sqrt3A, %add3A_79 : vector<1000x1xf32>
    %div3A = vector.broadcast %add3A_80 : vector<1000x1xf32> to vector<1000x128xf32>
    %div3A_81 = arith.divf %tanh3A, %div3A : vector<1000x128xf32>
    %swap3A_82 = arith.constant 0 : index
    %swap3A_83 = arith.constant 0 : index
    %swap3A_84 = vector.load %arg15[%swap3A_82, %swap3A_83] : memref<1000x128xf32, #tpu.memory_space<vmem>>, vector<1000x128xf32>
    tpu.vector_store %arg15[%swap3A_82, %swap3A_83], %div3A_81 {strides = array<i32>} : memref<1000x128xf32, #tpu.memory_space<vmem>>, vector<1000x128xf32>,
    return
  }
  func.func @transform_0(%arg0: i32) -> (i32, i32, i32) {
    %c0_i32 = arith.constant 0 : i32
    %c0_i32_0 = arith.constant 0 : i32
    %c0_i32_1 = arith.constant 0 : i32
    return %c0_i32, %arg0, %c0_i32_0 : i32, i32, i32
  }
  func.func @transform_1(%arg0: i32) -> (i32, i32, i32) {
    %c1_i32 = arith.constant 1 : i32
    %c0_i32 = arith.constant 0 : i32
    %c0_i32_0 = arith.constant 0 : i32
    return %c1_i32, %arg0, %c0_i32 : i32, i32, i32
  }
  func.func @transform_2(%arg0: i32) -> (i32, i32) {
    %c0_i32 = arith.constant 0 : i32
    %c0_i32_0 = arith.constant 0 : i32
    return %arg0, %c0_i32 : i32, i32
  }
  func.func @transform_3(%arg0: i32) -> (i32, i32) {
    %c0_i32 = arith.constant 0 : i32
    %c0_i32_0 = arith.constant 0 : i32
    %c0_i32_1 = arith.constant 0 : i32
    return %c0_i32, %c0_i32_0 : i32, i32
  }
  func.func @transform_4(%arg0: i32) -> (i32, i32) {
    %c0_i32 = arith.constant 0 : i32
    %c0_i32_0 = arith.constant 0 : i32
    %c0_i32_1 = arith.constant 0 : i32
    return %c0_i32, %c0_i32_0 : i32, i32
  }
  func.func @transform_5(%arg0: i32) -> (i32, i32) {
    %c0_i32 = arith.constant 0 : i32
    %c0_i32_0 = arith.constant 0 : i32
    %c0_i32_1 = arith.constant 0 : i32
    return %c0_i32, %c0_i32_0 : i32, i32
  }
  func.func @transform_6(%arg0: i32) -> (i32, i32) {
    %c0_i32 = arith.constant 0 : i32
    %c0_i32_0 = arith.constant 0 : i32
    %c0_i32_1 = arith.constant 0 : i32
    return %c0_i32, %c0_i32_0 : i32, i32
  }
  func.func @transform_7(%arg0: i32) -> (i32, i32) {
    %c0_i32 = arith.constant 0 : i32
    %c0_i32_0 = arith.constant 0 : i32
    %c0_i32_1 = arith.constant 0 : i32
    return %c0_i32, %c0_i32_0 : i32, i32
  }
  func.func @transform_8(%arg0: i32) -> (i32, i32) {
    %c0_i32 = arith.constant 0 : i32
    %c0_i32_0 = arith.constant 0 : i32
    %c0_i32_1 = arith.constant 0 : i32
    return %c0_i32, %c0_i32_0 : i32, i32
  }
  func.func @transform_9(%arg0: i32) -> (i32, i32) {
    %c0_i32 = arith.constant 0 : i32
    %c0_i32_0 = arith.constant 0 : i32
    return %arg0, %c0_i32 : i32, i32
  }
  func.func @transform_10(%arg0: i32) -> (i32, i32) {
    %c0_i32 = arith.constant 0 : i32
    %c0_i32_0 = arith.constant 0 : i32
    return %arg0, %c0_i32 : i32, i32
  }
  func.func @transform_11(%arg0: i32) -> (i32, i32) {
    %c0_i32 = arith.constant 0 : i32
    %c0_i32_0 = arith.constant 0 : i32
    %c0_i32_1 = arith.constant 0 : i32
    return %c0_i32, %c0_i32_0 : i32, i32
  }
  func.func @transform_12(%arg0: i32) -> (i32, i32) {
    %c0_i32 = arith.constant 0 : i32
    %c0_i32_0 = arith.constant 0 : i32
    %c0_i32_1 = arith.constant 0 : i32
    return %c0_i32, %c0_i32_0 : i32, i32
  }
  func.func @transform_13(%arg0: i32) -> (i32, i32) {
    %c0_i32 = arith.constant 0 : i32
    %c0_i32_0 = arith.constant 0 : i32
    return %arg0, %c0_i32 : i32, i32
  }
  func.func @transform_14(%arg0: i32) -> (i32, i32) {
    %c0_i32 = arith.constant 0 : i32
    %c0_i32_0 = arith.constant 0 : i32
    return %arg0, %c0_i32 : i32, i32
  }
}

</mosaic_0001>

<sc_bundles>
// kernel: kernel.5.cloned.1.call-start
scs
__scs_entry_jumppad:
0x0: {  	(pc) =	sbr.rel $0x88, $3  }
0x1: {  	(tag) =	ssettag $0x0;
	lr =	simm.s32 $0x1  }
0x2: {  	[smem:$0x3F93] =	sst lr;
	_ =	strace $0xD0000000  }
0x3: {  	_ = 	snop  }
0x4: {  	_ = 	snop  }
0x5: {  	_ = 	snop  }
0x6: {  	_ = 	snop  }
0x7: {  	_ = 	snop  }
__scs_overlays_trampoline_lowered:
0x8: {  	[smem:$0x3FA2] =	sst s0  }
0x9: {  	[smem:$0x3FA3] =	sst s1  }
0xa: {  	[smem:$0x3FA4] =	sst s2  }
0xb: {  	[smem:$0x3FA5] =	sst s3  }
0xc: {  	[smem:$0x3FA6] =	sst s4  }
0xd: {  	[smem:$0x3FA7] =	sst s5  }
0xe: {  	[smem:$0x3FA8] =	sst s6  }
0xf: {  	[smem:$0x3FA9] =	sst s7  }
0x10: {  	[smem:$0x3FAA] =	sst s8  }
0x11: {  	[smem:$0x3FAB] =	sst s9;
	s0 =	simm.s32 @!p0 $0x0  }
0x12: {  	s1 =	sld [smem:$0x3F91];
	s0 =	simm.s32 @p0 $0x1  }
0x13: {  	[smem:$0x3FAC] =	sst s0;
	s0 =	simm.s32 @!p1 $0x0  }
0x14: {  	s2 =	sld [smem:$0x3F90];
	s0 =	simm.s32 @p1 $0x1  }
0x15: {  	[smem:$0x3FAD] =	sst s0;
	s0 =	simm.s32 @!p2 $0x0  }
0x16: {  	s3 =	sld [smem:$0x3FDB];
	s0 =	simm.s32 @p2 $0x1  }
0x17: {  	s4 =	simm.s32 $0x1BF5;
	[smem:$0x3FAF] =	sst s0  }
0x18: {  	s0 =	sld [smem:$0x3F92];
	_ =	swait.ge [sflag:s4], $0x0  }
0x19: {  	s7 =	sld [smem:$0x3F93]  }
0x1a: {  	s8 =	sadd.s32 $0xFFFFE003, lr  }
0x1b: {  	s9 =	sadd.s32 $0xFFFFFEF7, lr;
	s5 =	simm.s32 $0xFFFFFFFF;
	p2 =	slt.u32 s8, $0xFFFFF086  }
0x1c: {  	p1 =	slt.u32 s9, $0xF7A;
	s5 =	simm.s32 @!p2 $0x0  }
0x1d: {  	s5 =	simm.s32 @p1 $0x1;
	p0 =	seq.s32 s7, s2  }
0x1e: {  	s7 =	smul.u32 @!p0 $0xF7A, s2;
	p2 =	seq.s32 @!p0 s5, $0x0  }
0x1f: {  	s9 =	smul.u32 $0xF7A, s1;
	s8 =	simm.s32 @!p0 $0x1BF5;
	p2 =	por !p2, p0  }
0x20: {  	[sflag:s8] =	ssyncset.s32 @!p0 $0xFFFFF086;
	s6 =	sadd.s32 @!p0 s3, s7;
	s7 =	simm.s32 @!p0 $0x108  }
0x21: {  	s3 =	sadd.s32 s3, s9;
	s6 =	sadd.s32 @!p0 $0x88, s6;
	s7 =	simm.s32 @p2 $0x1082  }
0x22: {  	[simem:s7], [sflag:s8] =	dma.local @!p0 [hbm:s6], $0xF7A  }
0x23: {  	s9 =	sor.u32 $0xD0000000, s2;
	s6 =	simm.s32 $0x108;
	_ =	swait.ge @!p0 [sflag:s8], $0x0  }
0x24: {  	s3 =	sadd.s32 $0x88, s3;
	s6 =	simm.s32 @!p1 $0x1082;
	[sflag:s4] =	ssyncset.s32 $0xFFFFF086  }
0x25: {  	[simem:s6], [sflag:s4] =	dma.local [hbm:s3], $0xF7A  }
0x26: {  	[smem:$0x3F93] =	sst s1;
	(tag) =	ssettag s2;
	_ =	strace s9  }
0x27: {  	s1 =	sld [smem:$0x3FA3]  }
0x28: {  	s2 =	sld [smem:$0x3FA4]  }
0x29: {  	s4 =	sld [smem:$0x3FA6]  }
0x2a: {  	p0 =	seq.s32 s5, $0x0;
	s5 =	sld [smem:$0x3FA7]  }
0x2b: {  	s6 =	sld [smem:$0x3FA8]  }
0x2c: {  	s7 =	sld [smem:$0x3FA9]  }
0x2d: {  	s3 =	simm.s32 $0x108;
	s8 =	sld [smem:$0x3FAA]  }
0x2e: {  	s3 =	simm.s32 @!p0 $0x1082;
	s9 =	sld [smem:$0x3FAB]  }
0x2f: {  	lr =	sadd.s32 s0, s3;
	s0 =	sld [smem:$0x3FA2]  }
0x30: {  	s3 =	sld [smem:$0x3FA5]  }
0x31: {  	[smem:$0x3FAE] =	sst s10  }
0x32: {  	s10 =	sld [smem:$0x3FAC];
	_ =	sdelay $0x3  }
0x33: {  	p0 =	seq.s32 s10, $0x1;
	s10 =	sld [smem:$0x3FAE];
	_ =	sdelay $0x3  }
0x34: {  	[smem:$0x3FAE] =	sst s10  }
0x35: {  	s10 =	sld [smem:$0x3FAD];
	_ =	sdelay $0x3  }
0x36: {  	p1 =	seq.s32 s10, $0x1;
	s10 =	sld [smem:$0x3FAE];
	_ =	sdelay $0x3  }
0x37: {  	[smem:$0x3FAE] =	sst s10  }
0x38: {  	s10 =	sld [smem:$0x3FAF]  }
0x39: {  	_ = 	snop;
	(pc) =	sbr.ind lr, $3  }
0x3a: {  	_ = 	snop  }
0x3b: {  	_ = 	snop  }
0x3c: {  	p2 =	seq.s32 s10, $0x1;
	s10 =	sld [smem:$0x3FAE]  }
0x3d: {  	_ =	shalt  }
0x3e: {  	_ =	shalt  }
0x3f: {  	_ =	shalt  }
0x40: {  	_ =	shalt  }
0x41: {  	_ =	shalt  }
0x42: {  	_ =	shalt  }
0x43: {  	_ =	shalt  }
0x44: {  	_ =	shalt  }
0x45: {  	_ =	shalt  }
0x46: {  	_ =	shalt  }
0x47: {  	_ =	shalt  }
0x48: {  	_ =	shalt  }
0x49: {  	_ =	shalt  }
0x4a: {  	_ =	shalt  }
0x4b: {  	_ =	shalt  }
0x4c: {  	_ =	shalt  }
0x4d: {  	_ =	shalt  }
0x4e: {  	_ =	shalt  }
0x4f: {  	_ =	shalt  }
0x50: {  	_ =	shalt  }
0x51: {  	_ =	shalt  }
0x52: {  	_ =	shalt  }
0x53: {  	_ =	shalt  }
0x54: {  	_ =	shalt  }
0x55: {  	_ =	shalt  }
0x56: {  	_ =	shalt  }
0x57: {  	_ =	shalt  }
0x58: {  	_ =	shalt  }
0x59: {  	_ =	shalt  }
0x5a: {  	_ =	shalt  }
0x5b: {  	_ =	shalt  }
0x5c: {  	_ =	shalt  }
0x5d: {  	_ =	shalt  }
0x5e: {  	_ =	shalt  }
0x5f: {  	_ =	shalt  }
0x60: {  	_ =	shalt  }
0x61: {  	_ =	shalt  }
0x62: {  	_ =	shalt  }
0x63: {  	_ =	shalt  }
0x64: {  	_ =	shalt  }
0x65: {  	_ =	shalt  }
0x66: {  	_ =	shalt  }
0x67: {  	_ =	shalt  }
0x68: {  	_ =	shalt  }
0x69: {  	_ =	shalt  }
0x6a: {  	_ =	shalt  }
0x6b: {  	_ =	shalt  }
0x6c: {  	_ =	shalt  }
0x6d: {  	_ =	shalt  }
0x6e: {  	_ =	shalt  }
0x6f: {  	_ =	shalt  }
0x70: {  	_ =	shalt  }
0x71: {  	_ =	shalt  }
0x72: {  	_ =	shalt  }
0x73: {  	_ =	shalt  }
0x74: {  	_ =	shalt  }
0x75: {  	_ =	shalt  }
0x76: {  	_ =	shalt  }
0x77: {  	_ =	shalt  }
0x78: {  	_ =	shalt  }
0x79: {  	_ =	shalt  }
0x7a: {  	_ =	shalt  }
0x7b: {  	_ =	shalt  }
0x7c: {  	_ =	shalt  }
0x7d: {  	_ =	shalt  }
0x7e: {  	_ =	shalt  }
0x7f: {  	_ =	shalt  }
0x80: {  	_ =	shalt  }
0x81: {  	_ =	shalt  }
0x82: {  	_ =	shalt  }
0x83: {  	_ =	shalt  }
0x84: {  	_ =	shalt  }
0x85: {  	_ =	shalt  }
0x86: {  	_ =	shalt  }
0x87: {  	_ =	shalt  }
.Lfunc_end0:
.L_simem_size_0:
called_computation_lowered:
.L_overlay_start_0:
0x88: {  	s2 =	sld [smem:$0x3FD9]  }
0x89: {  	s3 =	sld [smem:$0x3FFE];
	_ =	sdelay $0x1  }
0x8a: {  	s1 =	srdreg.scid  }
0x8b: {  	s0 =	sand.u32 $0x1, s1  }
0x8c: {  	s14 =	sshll.u32 s0, $0xA;
	s2 =	sadd.s32 s3, s2  }
0x8d: {  	s2 =	sadd.s32 s2, s14  }
0x8e: {  	[smem:$0x3FBA] =	sst s2  }
0x8f: {  	_ = 	snop  }
0x90: {  	s2 =	sld [smem:$0x3FD0];
	_ =	sdelay $0x2  }
0x91: {  	s15 =	simm.s32 $0xA;
	s4 =	simm.s32 $0x10  }
0x92: {  	[smem:s4], [sflag:s15] =	dma.local [hbm:s2], $0x1  }
0x93: {  	_ =	swait.eq [sflag:s15], $0x1  }
0x94: {  	[sflag:s15] =	ssyncset.done $0x0  }
0x95: {  	[sflag:s15] =	ssyncadd.s32 $0xFFFFFFFF  }
0x96: {  	s16 =	sld [smem:$0x11];
	(tm) =	ssettm $0x1  }
0x97: {  	s17 =	sld [smem:$0x3FFB];
	_ =	sdelay $0x3  }
0x98: {  	_ =	strace s17  }
0x99: {  	s3 =	sld [smem:$0x3FFC];
	_ =	sdelay $0x3  }
0x9a: {  	_ =	strace s3  }
0x9b: {  	s3 =	sld [smem:$0x3FFD];
	_ =	sdelay $0x3  }
0x9c: {  	_ =	strace s3  }
0x9d: {  	_ =	strace $0x8FFFFFFF  }
0x9e: {  	s18 =	sld [smem:$0x3FDB];
	_ =	sdelay $0x1  }
0x9f: {  	s19 =	simm.s32 $_scs_section_size  }
0xa0: {  	s5 =	simm.s32 $_size__tile_overlayer_lowered;
	s6 =	simm.s32 $_tile_overlayer_lowered  }
0xa1: {  	s22 =	simm.s32 $0x1BFF;
	s21 =	sshll.u32 s6, $0x1;
	s3 =	sadd.s32 s19, s18  }
0xa2: {  	s7 =	simm.s32 $0x0;
	s20 =	sshll.u32 s5, $0x1;
	s5 =	sadd.s32 s21, s3  }
0xa3: {  	[timem:s7], [sflag:s22] =	dma.local [hbm:s5], s20  }
0xa4: {  	_ =	swait.ge [sflag:s22], s20  }
0xa5: {  	s4 =	ssub.s32 $0x0, s20;
	[sflag:s22] =	ssyncset.done $0x0  }
0xa6: {  	[sflag:s22] =	ssyncadd.s32 s4;
	_ =	sdelay $0x1  }
0xa7: {  	s23 =	simm.s32 $0x1B8B  }
0xa8: {  	_ =	swait.ge [sflag:s23], $0x1  }
0xa9: {  	[sflag:s23] =	ssyncset.done $0x0  }
0xaa: {  	s25 =	simm.s32 $0x1B8E;
	s24 =	sld [smem:$0x3FFE];
	[sflag:s23] =	ssyncadd.s32 $0xFFFFFFFF  }
0xab: {  	s26 =	simm.s32 $execute0_lowered;
	[smem:$0x3FD2] =	sst s25  }
0xac: {  	s5 =	sshll.u32 s26, $0x1;
	_ =	strace $0x80000046;
	[dreg:$0x1] =	wrdreg $0xFFFFFFFF  }
0xad: {  	s28 =	simm.s32 $_size_execute0_lowered;
	s3 =	sadd.s32 s3, s5;
	[dreg:$0x0] =	wrdreg $0x0  }
0xae: {  	s5 =	sshll.u32 s28, $0x1;
	[dreg:$0x2] =	wrdreg s3  }
0xaf: {  	[dreg:$0x3] =	wrdreg s5  }
0xb0: {  	[dreg:$0x4] =	wrdreg $0xC0  }
0xb1: {  	_ =	task [dreg:s7], $0x5FFFF  }
0xb2: {  	[dreg:$0x1] =	wrdreg $0xFFFFFFFF  }
0xb3: {  	[dreg:$0x0] =	wrdreg $0x60  }
0xb4: {  	[dreg:$0x2] =	wrdreg s24  }
0xb5: {  	[dreg:$0x3] =	wrdreg s16  }
0xb6: {  	[dreg:$0x4] =	wrdreg $0xA8000  }
0xb7: {  	[dreg:$0x5] =	wrdreg $0x9  }
0xb8: {  	_ =	task.clear_ibuf [dreg:s7], $0x6FFFF;
	_ =	strace $0x90000046  }
0xb9: {  	s29 =	simm.s32 $0x9;
	_ =	strace $0x80000048  }
0xba: {  	_ =	swait.ge [sflag:s29], $0x1  }
0xbb: {  	[sflag:s29] =	ssyncadd.s32 $0xFFFFFFFF  }
0xbc: {  	_ =	strace $0x90000048  }
0xbd: {  	_ =	sfence  }
0xbe: {  	s30 =	sld [smem:$0x0];
	_ =	sdelay $0x2  }
0xbf: {  	s31 =	sshll.u32 s1, $0xD;
	s1 =	sshrl.u32 s1, $0x2  }
0xc0: {  	s3 =	sand.u32 $0x4000, s31;
	s1 =	sadd.s32 s1, s30  }
0xc1: {  	s0 =	sor.u32 s3, s0;
	s1 =	sshll.u32 s1, $0x11  }
0xc2: {  	s0 =	sor.u32 s1, s0  }
0xc3: {  	s0 =	sadd.s32 $0x8F2B, s0  }
0xc4: {  	[sflag:s0] =	ssyncadd.remote.s32 $0x1  }
0xc5: {  	_ =	sfence.sel $0xFFFF  }
0xc6: {  	[dreg:$0x0] =	wrdreg $0xFFFFFFFF;
	(pc) =	sbr.abs _section_cstart, $3  }
0xc7: {  	[dreg:$0x1] =	wrdreg $0xFFFFFFFF  }
0xc8: {  	_ =	task.clear_ibuf [dreg:s7], $0x2FFFF;
	_ =	strace $0x9FFFFFFF  }
0xc9: {  	(tm) =	ssettm $0x7FFFFFFF  }
tec
execute0_lowered:
.L_overlay_start_1:
0x0: {  	(tag) =	ssettag $0x1  }
0x1: {  	s0 =	rddreg [dreg:$0x0]  }
0x2: {  	s1 =	rddreg [dreg:$0x1]  }
0x3: {  	s2 =	rddreg [dreg:$0x2]  }
0x4: {  	s11 =	stileid.u32;
	s4 =	srdreg.scid;
	s3 =	simm.s32 $0x0  }
0x5: {  	s28 =	simm.s32 $0x6800;
	s29 =	simm.s32 $0x1;
	s30 =	simm.s32 $0x2  }
0x6: {  	s31 =	simm.s32 $0x3;
	s5 =	smul.u32 $0x2800, s11;
	s6 =	sand.u32 $0x1, s4  }
0x7: {  	s7 =	smul.u32 $0x280, s11;
	[smem:$0x7FF] =	sst s3;
	s4 =	sadd.s32 $0x1400, s0  }
0x8: {  	s9 =	sadd.s32 $0x28600, s0;
	s21 =	smul.u32 $0x50000, s11;
	s24 =	sshll.u32 s11, $0x6  }
0x9: {  	s8 =	smul.u32 $0x2800, s6;
	_ =	strace $0x80000047;
	s20 =	ssub.s32 $0x2, s6  }
0xa: {  	s6 =	sshll.u32 s6, $0x4;
	s10 =	sadd.s32 s5, s0;
	s22 =	sshrl.u32 s20, $0x1  }
0xb: {  	s6 =	sor.u32 s11, s6;
	s23 =	sshrl.u32 s21, $0x2;
	s19 =	sadd.s32 s7, s8  }
0xc: {  	s7 =	ssub.s32 s20, s22;
	s6 =	smul.u32 $0x500, s6;
	s10 =	sadd.s32 $0x32600, s10  }
0xd: {  	s8 =	sor.u32 $0x1C05, s24;
	s24 =	simm.s32 $0x1400;
	[dreg:$0x4] =	wrdreg s10  }
0xe: {  	s5 =	sshll.u32 s19, $0x4;
	[dreg:$0x5] =	wrdreg s8;
	s7 =	smax.u32 s7, $0x1  }
0xf: {  	s0 =	sadd.s32 s5, s0;
	s5 =	sadd.s32 s23, s2;
	[dreg:$0x6] =	wrdreg s7  }
0x10: {  	s25 =	sadd.s32 s9, s6;
	s26 =	sadd.s32 s1, s6;
	s6 =	sadd.s32 $0x280, s6  }
0x11: {  	s23 =	simm.s32 $0x5;
	s7 =	simm.s32 $0x0;
	[dreg:$0x7] =	wrdreg s25  }
0x12: {  	[dreg:$0x8] =	wrdreg s26;
	s11 =	sadd.s32 s9, s6;
	s12 =	sadd.s32 s1, s6  }
0x13: {  	s13 =	sadd.s32 $0x5A600, s0;
	s14 =	sadd.s32 $0x4000, s5;
	s15 =	sadd.s32 $0x5AE00, s0  }
0x14: {  	s16 =	sadd.s32 $0x8000, s5;
	s17 =	sadd.s32 $0x5B600, s0;
	s18 =	sadd.s32 $0xC000, s5  }
0x15: {  	s19 =	sadd.s32 $0x5BE00, s0;
	s20 =	sadd.s32 $0x10000, s5;
	s21 =	sadd.s32 $0x5C600, s0  }
0x16: {  	s22 =	sshrl.u32 s5, $0x3;
	s25 =	simm.s32 $0x80;
	s26 =	simm.s32 $0x2800  }
0x17: {  	s0 =	simm.s32 $0x4;
	s1 =	simm.s32 $0x2700;
	s6 =	simm.s32 $0x2780  }
.LBB2_1:
0x18: {  	s8 =	rddreg [dreg:$0x4]  }
0x19: {  	s9 =	rddreg [dreg:$0x5]  }
0x1a: {  	[spmem:s22], [sflag:s9] =	dma.local [hbm:s8], $0x2800  }
0x1b: {  	_ =	swait.ge [sflag:s23], $0x2800  }
0x1c: {  	[sflag:s23] =	ssyncset.done $0x0  }
0x1d: {  	[sflag:s23] =	ssyncadd.s32 $0xFFFFD800  }
0x1e: {  	[bflag:$0x0] =	sbarrier.arrive $0xFFFF  }
0x1f: {  	s10 =	rddreg [dreg:$0x7]  }
0x20: {  	[tilespmem:s3], [sflag:$0x5] =	stream.linear.gather [hbm4b:s10+s3], $0x1400, $0x38;
	[tilespmem:$0x1E800] =	vst v63  }
0x21: {  	_ =	swait.ge [sflag:s23], $0x1400  }
0x22: {  	[sflag:s23] =	ssyncset.done $0x0  }
0x23: {  	s9 =	rddreg [dreg:$0x8];
	[sflag:s23] =	ssyncadd.s32 $0xFFFFEC00  }
0x24: {  	[tilespmem:s24], [sflag:$0x5] =	stream.linear.gather [hbm4b:s9+s3], $0x1400, $0x38;
	[tilespmem:$0x1E800] =	vst v63  }
0x25: {  	_ =	swait.ge [sflag:s23], $0x1400  }
0x26: {  	[sflag:s23] =	ssyncset.done $0x0  }
0x27: {  	[sflag:s23] =	ssyncadd.s32 $0xFFFFEC00  }
0x28: {  	[tilespmem:s26], [sflag:$0x1] =	stream.indirect.gather [hbm4b:s4+s25], $0x80, s3, s25, $0xb8;
	[tilespmem:$0x1E800] =	vst v63  }
0x29: {  	_ = 	snop  }
0x2a: {  	[tilespmem:s28], [sflag:$0x2] =	stream.indirect.gather [hbm4b:s4+s25], $0x80, s25, s25, $0xb8;
	[tilespmem:$0x1E800] =	vst v63  }
0x2b: {  	_ =	swait.ge [sflag:s29], $0x4000  }
0x2c: {  	[sflag:s29] =	ssyncset.done $0x0  }
0x2d: {  	s10 =	simm.s32 $0x1400;
	[sflag:s29] =	ssyncadd.s32 $0xFFFFC000  }
0x2e: {  	[spmem:s2] =	stream.indirect.scatter.add.f32 [tilespmem:s26], [sflag:$0x3], $0x80, s10, s25, $0xb8;
	[tilespmem:$0x1E800] =	vst v63  }
0x2f: {  	_ =	swait.ge [sflag:s30], $0x4000  }
0x30: {  	[sflag:s30] =	ssyncset.done $0x0  }
0x31: {  	s9 =	simm.s32 $0x1480;
	[sflag:s30] =	ssyncadd.s32 $0xFFFFC000  }
0x32: {  	[spmem:s2] =	stream.indirect.scatter.add.f32 [tilespmem:s28], [sflag:$0x4], $0x80, s9, s25, $0xb8;
	[tilespmem:$0x1E800] =	vst v63  }
0x33: {  	_ =	swait.ge [sflag:s31], $0x4000  }
0x34: {  	[sflag:s31] =	ssyncset.done $0x0  }
0x35: {  	s10 =	simm.s32 $0x100;
	[sflag:s31] =	ssyncadd.s32 $0xFFFFC000  }
0x36: {  	[tilespmem:s26], [sflag:$0x1] =	stream.indirect.gather [hbm4b:s4+s25], $0x80, s10, s25, $0xb8;
	[tilespmem:$0x1E800] =	vst v63  }
0x37: {  	_ =	swait.ge [sflag:s0], $0x4000  }
0x38: {  	[sflag:s0] =	ssyncset.done $0x0  }
0x39: {  	s8 =	simm.s32 $0x400;
	s9 =	simm.s32 $0x180;
	[sflag:s0] =	ssyncadd.s32 $0xFFFFC000  }
.LBB2_2:
0x3a: {  	[tilespmem:s28], [sflag:$0x2] =	stream.indirect.gather [hbm4b:s4+s25], $0x80, s9, s25, $0xb8;
	[tilespmem:$0x1E800] =	vst v63  }
0x3b: {  	s9 =	smov.u32 s8  }
0x3c: {  	p0 =	sne.s32 s8, $0x4800;
	s8 =	sadd.s32 $0x400, s8;
	_ =	swait.ge [sflag:s29], $0x4000  }
0x3d: {  	s9 =	sshra.s32 s9, $0x2;
	[sflag:s29] =	ssyncset.done $0x0  }
0x3e: {  	s10 =	sadd.s32 $0x1400, s9;
	[sflag:s29] =	ssyncadd.s32 $0xFFFFC000  }
0x3f: {  	[spmem:s2] =	stream.indirect.scatter.add.f32 [tilespmem:s26], [sflag:$0x3], $0x80, s10, s25, $0xb8;
	[tilespmem:$0x1E800] =	vst v63  }
0x40: {  	_ =	swait.ge [sflag:s30], $0x4000  }
0x41: {  	[sflag:s30] =	ssyncset.done $0x0  }
0x42: {  	s10 =	sadd.s32 $0x1480, s9;
	[sflag:s30] =	ssyncadd.s32 $0xFFFFC000  }
0x43: {  	[spmem:s2] =	stream.indirect.scatter.add.f32 [tilespmem:s28], [sflag:$0x4], $0x80, s10, s25, $0xb8;
	[tilespmem:$0x1E800] =	vst v63  }
0x44: {  	_ =	swait.ge [sflag:s31], $0x4000  }
0x45: {  	[sflag:s31] =	ssyncset.done $0x0  }
.Ltmp0:
0x46: {  	s10 =	sadd.s32 $0x100, s9;
	[sflag:s31] =	ssyncadd.s32 $0xFFFFC000;
	(pc) =	sbr.rel @p0 .LBB2_2-.Ltmp0, $4  }
0x47: {  	[tilespmem:s26], [sflag:$0x1] =	stream.indirect.gather [hbm4b:s4+s25], $0x80, s10, s25, $0xb8;
	[tilespmem:$0x1E800] =	vst v63  }
0x48: {  	_ =	swait.ge [sflag:s0], $0x4000  }
0x49: {  	[sflag:s0] =	ssyncset.done $0x0  }
0x4a: {  	s9 =	sadd.s32 $0x180, s9;
	[sflag:s0] =	ssyncadd.s32 $0xFFFFC000  }
0x4b: {  	[tilespmem:s28], [sflag:$0x2] =	stream.indirect.gather [hbm4b:s4+s25], $0x80, s9, s25, $0xb8;
	[tilespmem:$0x1E800] =	vst v63  }
0x4c: {  	_ =	swait.ge [sflag:s29], $0x4000  }
0x4d: {  	[sflag:s29] =	ssyncset.done $0x0  }
0x4e: {  	[sflag:s29] =	ssyncadd.s32 $0xFFFFC000  }
0x4f: {  	[spmem:s2] =	stream.indirect.scatter.add.f32 [tilespmem:s26], [sflag:$0x3], $0x80, s1, s25, $0xb8;
	[tilespmem:$0x1E800] =	vst v63  }
0x50: {  	_ =	swait.ge [sflag:s31], $0x4000  }
0x51: {  	[sflag:s31] =	ssyncset.done $0x0  }
0x52: {  	[sflag:s31] =	ssyncadd.s32 $0xFFFFC000  }
0x53: {  	_ =	swait.ge [sflag:s30], $0x4000  }
0x54: {  	[sflag:s30] =	ssyncset.done $0x0  }
0x55: {  	[sflag:s30] =	ssyncadd.s32 $0xFFFFC000  }
0x56: {  	[spmem:s2] =	stream.indirect.scatter.add.f32 [tilespmem:s28], [sflag:$0x4], $0x80, s6, s25, $0xb8;
	[tilespmem:$0x1E800] =	vst v63  }
0x57: {  	_ =	swait.ge [sflag:s0], $0x4000  }
0x58: {  	[sflag:s0] =	ssyncset.done $0x0  }
0x59: {  	s8 =	simm.s32 $0x0;
	[sflag:s0] =	ssyncadd.s32 $0xFFFFC000  }
0x5a: {  	[tilespmem:s8], [sflag:$0x5] =	stream.linear.gather [hbm4b:s11+s8], $0x1400, $0x38;
	[tilespmem:$0x1E800] =	vst v63  }
0x5b: {  	_ =	swait.ge [sflag:s23], $0x1400  }
0x5c: {  	[sflag:s23] =	ssyncset.done $0x0  }
0x5d: {  	[sflag:s23] =	ssyncadd.s32 $0xFFFFEC00  }
0x5e: {  	[tilespmem:s24], [sflag:$0x5] =	stream.linear.gather [hbm4b:s12+s8], $0x1400, $0x38;
	[tilespmem:$0x1E800] =	vst v63  }
0x5f: {  	_ =	swait.ge [sflag:s23], $0x1400  }
0x60: {  	[sflag:s23] =	ssyncset.done $0x0  }
0x61: {  	[sflag:s23] =	ssyncadd.s32 $0xFFFFEC00  }
0x62: {  	[tilespmem:s26], [sflag:$0x1] =	stream.indirect.gather [hbm4b:s4+s25], $0x80, s8, s25, $0xb8;
	[tilespmem:$0x1E800] =	vst v63  }
0x63: {  	_ = 	snop  }
0x64: {  	[tilespmem:s28], [sflag:$0x2] =	stream.indirect.gather [hbm4b:s4+s25], $0x80, s25, s25, $0xb8;
	[tilespmem:$0x1E800] =	vst v63  }
0x65: {  	_ =	swait.ge [sflag:s29], $0x4000  }
0x66: {  	[sflag:s29] =	ssyncset.done $0x0  }
0x67: {  	s10 =	simm.s32 $0x1400;
	[sflag:s29] =	ssyncadd.s32 $0xFFFFC000  }
0x68: {  	[spmem:s2] =	stream.indirect.scatter.add.f32 [tilespmem:s26], [sflag:$0x3], $0x80, s10, s25, $0xb8;
	[tilespmem:$0x1E800] =	vst v63  }
0x69: {  	_ =	swait.ge [sflag:s30], $0x4000  }
0x6a: {  	[sflag:s30] =	ssyncset.done $0x0  }
0x6b: {  	s9 =	simm.s32 $0x1480;
	[sflag:s30] =	ssyncadd.s32 $0xFFFFC000  }
0x6c: {  	[spmem:s2] =	stream.indirect.scatter.add.f32 [tilespmem:s28], [sflag:$0x4], $0x80, s9, s25, $0xb8;
	[tilespmem:$0x1E800] =	vst v63  }
0x6d: {  	_ =	swait.ge [sflag:s31], $0x4000  }
0x6e: {  	[sflag:s31] =	ssyncset.done $0x0  }
0x6f: {  	s10 =	simm.s32 $0x100;
	[sflag:s31] =	ssyncadd.s32 $0xFFFFC000  }
0x70: {  	[tilespmem:s26], [sflag:$0x1] =	stream.indirect.gather [hbm4b:s4+s25], $0x80, s10, s25, $0xb8;
	[tilespmem:$0x1E800] =	vst v63  }
0x71: {  	_ =	swait.ge [sflag:s0], $0x4000  }
0x72: {  	[sflag:s0] =	ssyncset.done $0x0  }
0x73: {  	s8 =	simm.s32 $0x400;
	s9 =	simm.s32 $0x180;
	[sflag:s0] =	ssyncadd.s32 $0xFFFFC000  }
.LBB2_4:
0x74: {  	[tilespmem:s28], [sflag:$0x2] =	stream.indirect.gather [hbm4b:s4+s25], $0x80, s9, s25, $0xb8;
	[tilespmem:$0x1E800] =	vst v63  }
0x75: {  	s9 =	smov.u32 s8  }
0x76: {  	p0 =	sne.s32 s8, $0x4800;
	s8 =	sadd.s32 $0x400, s8;
	_ =	swait.ge [sflag:s29], $0x4000  }
0x77: {  	s9 =	sshra.s32 s9, $0x2;
	[sflag:s29] =	ssyncset.done $0x0  }
0x78: {  	s10 =	sadd.s32 $0x1400, s9;
	[sflag:s29] =	ssyncadd.s32 $0xFFFFC000  }
0x79: {  	[spmem:s2] =	stream.indirect.scatter.add.f32 [tilespmem:s26], [sflag:$0x3], $0x80, s10, s25, $0xb8;
	[tilespmem:$0x1E800] =	vst v63  }
0x7a: {  	_ =	swait.ge [sflag:s30], $0x4000  }
0x7b: {  	[sflag:s30] =	ssyncset.done $0x0  }
0x7c: {  	s10 =	sadd.s32 $0x1480, s9;
	[sflag:s30] =	ssyncadd.s32 $0xFFFFC000  }
0x7d: {  	[spmem:s2] =	stream.indirect.scatter.add.f32 [tilespmem:s28], [sflag:$0x4], $0x80, s10, s25, $0xb8;
	[tilespmem:$0x1E800] =	vst v63  }
0x7e: {  	_ =	swait.ge [sflag:s31], $0x4000  }
0x7f: {  	[sflag:s31] =	ssyncset.done $0x0  }
.Ltmp1:
0x80: {  	s10 =	sadd.s32 $0x100, s9;
	[sflag:s31] =	ssyncadd.s32 $0xFFFFC000;
	(pc) =	sbr.rel @p0 .LBB2_4-.Ltmp1, $4  }
0x81: {  	[tilespmem:s26], [sflag:$0x1] =	stream.indirect.gather [hbm4b:s4+s25], $0x80, s10, s25, $0xb8;
	[tilespmem:$0x1E800] =	vst v63  }
0x82: {  	_ =	swait.ge [sflag:s0], $0x4000  }
0x83: {  	[sflag:s0] =	ssyncset.done $0x0  }
0x84: {  	s9 =	sadd.s32 $0x180, s9;
	[sflag:s0] =	ssyncadd.s32 $0xFFFFC000  }
0x85: {  	[tilespmem:s28], [sflag:$0x2] =	stream.indirect.gather [hbm4b:s4+s25], $0x80, s9, s25, $0xb8;
	[tilespmem:$0x1E800] =	vst v63  }
0x86: {  	_ =	swait.ge [sflag:s29], $0x4000  }
0x87: {  	[sflag:s29] =	ssyncset.done $0x0  }
0x88: {  	[sflag:s29] =	ssyncadd.s32 $0xFFFFC000  }
0x89: {  	[spmem:s2] =	stream.indirect.scatter.add.f32 [tilespmem:s26], [sflag:$0x3], $0x80, s1, s25, $0xb8;
	[tilespmem:$0x1E800] =	vst v63  }
0x8a: {  	_ =	swait.ge [sflag:s31], $0x4000  }
0x8b: {  	[sflag:s31] =	ssyncset.done $0x0  }
0x8c: {  	[sflag:s31] =	ssyncadd.s32 $0xFFFFC000  }
0x8d: {  	_ =	swait.ge [sflag:s30], $0x4000  }
0x8e: {  	[sflag:s30] =	ssyncset.done $0x0  }
0x8f: {  	[sflag:s30] =	ssyncadd.s32 $0xFFFFC000  }
0x90: {  	[spmem:s2] =	stream.indirect.scatter.add.f32 [tilespmem:s28], [sflag:$0x4], $0x80, s6, s25, $0xb8;
	[tilespmem:$0x1E800] =	vst v63  }
0x91: {  	_ =	swait.ge [sflag:s0], $0x4000  }
0x92: {  	[sflag:s0] =	ssyncset.done $0x0  }
0x93: {  	[sflag:s0] =	ssyncadd.s32 $0xFFFFC000  }
0x94: {  	[bflag:$0x0] =	sbarrier.arrive $0xFFFF  }
0x95: {  	[tilespmem:s26], [sflag:$0x5] =	stream.linear.gather [spmem:s5], $0x4000, $0x38;
	[tilespmem:$0x1E800] =	vst v63  }
0x96: {  	_ =	swait.ge [sflag:s23], $0x4000  }
0x97: {  	[sflag:s23] =	ssyncset.done $0x0  }
0x98: {  	[sflag:s23] =	ssyncadd.s32 $0xFFFFC000  }
0x99: {  	[hbm4b:s13+s3] =	stream.linear.scatter [tilespmem:s26], [sflag:$0x5], $0x4000, $0x38;
	[tilespmem:$0x1E800] =	vst v63  }
0x9a: {  	_ =	swait.ge [sflag:s23], $0x4000  }
0x9b: {  	[sflag:s23] =	ssyncset.done $0x0  }
0x9c: {  	[sflag:s23] =	ssyncadd.s32 $0xFFFFC000  }
0x9d: {  	[tilespmem:s26], [sflag:$0x5] =	stream.linear.gather [spmem:s14], $0x4000, $0x38;
	[tilespmem:$0x1E800] =	vst v63  }
0x9e: {  	_ =	swait.ge [sflag:s23], $0x4000  }
0x9f: {  	[sflag:s23] =	ssyncset.done $0x0  }
0xa0: {  	[sflag:s23] =	ssyncadd.s32 $0xFFFFC000  }
0xa1: {  	[hbm4b:s15+s3] =	stream.linear.scatter [tilespmem:s26], [sflag:$0x5], $0x4000, $0x38;
	[tilespmem:$0x1E800] =	vst v63  }
0xa2: {  	_ =	swait.ge [sflag:s23], $0x4000  }
0xa3: {  	[sflag:s23] =	ssyncset.done $0x0  }
0xa4: {  	[sflag:s23] =	ssyncadd.s32 $0xFFFFC000  }
0xa5: {  	[tilespmem:s26], [sflag:$0x5] =	stream.linear.gather [spmem:s16], $0x4000, $0x38;
	[tilespmem:$0x1E800] =	vst v63  }
0xa6: {  	_ =	swait.ge [sflag:s23], $0x4000  }
0xa7: {  	[sflag:s23] =	ssyncset.done $0x0  }
0xa8: {  	[sflag:s23] =	ssyncadd.s32 $0xFFFFC000  }
0xa9: {  	[hbm4b:s17+s3] =	stream.linear.scatter [tilespmem:s26], [sflag:$0x5], $0x4000, $0x38;
	[tilespmem:$0x1E800] =	vst v63  }
0xaa: {  	_ =	swait.ge [sflag:s23], $0x4000  }
0xab: {  	[sflag:s23] =	ssyncset.done $0x0  }
0xac: {  	[sflag:s23] =	ssyncadd.s32 $0xFFFFC000  }
0xad: {  	[tilespmem:s26], [sflag:$0x5] =	stream.linear.gather [spmem:s18], $0x4000, $0x38;
	[tilespmem:$0x1E800] =	vst v63  }
0xae: {  	_ =	swait.ge [sflag:s23], $0x4000  }
0xaf: {  	[sflag:s23] =	ssyncset.done $0x0  }
0xb0: {  	[sflag:s23] =	ssyncadd.s32 $0xFFFFC000  }
0xb1: {  	[hbm4b:s19+s3] =	stream.linear.scatter [tilespmem:s26], [sflag:$0x5], $0x4000, $0x38;
	[tilespmem:$0x1E800] =	vst v63  }
0xb2: {  	_ =	swait.ge [sflag:s23], $0x4000  }
0xb3: {  	[sflag:s23] =	ssyncset.done $0x0  }
0xb4: {  	[sflag:s23] =	ssyncadd.s32 $0xFFFFC000  }
0xb5: {  	[tilespmem:s26], [sflag:$0x5] =	stream.linear.gather [spmem:s20], $0x4000, $0x38;
	[tilespmem:$0x1E800] =	vst v63  }
0xb6: {  	_ =	swait.ge [sflag:s23], $0x4000  }
0xb7: {  	[sflag:s23] =	ssyncset.done $0x0  }
0xb8: {  	[sflag:s23] =	ssyncadd.s32 $0xFFFFC000  }
0xb9: {  	[hbm4b:s21+s3] =	stream.linear.scatter [tilespmem:s26], [sflag:$0x5], $0x4000, $0x38;
	[tilespmem:$0x1E800] =	vst v63  }
0xba: {  	_ =	swait.ge [sflag:s23], $0x4000  }
0xbb: {  	s7 =	sadd.s32 $0x1, s7;
	s8 =	rddreg [dreg:$0x6]  }
0xbc: {  	p0 =	sne.s32 s7, s8  }
.Ltmp2:
0xbd: {  	_ = 	snop;
	(pc) =	sbr.rel @p0 .LBB2_1-.Ltmp2, $3  }
0xbe: {  	_ =	sdelay $0x1  }
0xbf: {  	[sflag:s23] =	ssyncset.done $0x0  }
0xc0: {  	[sflag:s23] =	ssyncadd.s32 $0xFFFFC000  }
0xc1: {  	_ =	sfence.sel $0x180000  }
0xc2: {  	[bflag:$0x0] =	sbarrier.arrive $0xFFFF  }
0xc3: {  	_ =	strace $0x90000047  }
0xc4: {  	s0 =	stileid.u32;
	[bflag:$0x2] =	sbarrier.arrive $0xFFFF  }
0xc5: {  	p0 =	sne.s32 s0, $0x0;
	s0 =	rddreg [dreg:$0x3]  }
0xc6: {  	s0 =	sadd.s32 @!p0 $0x100000, s0  }
0xc7: {  	[sflag:s0] =	ssyncadd.tile.s32 @!p0 $0x1;
	_ =	shalt  }
.Lfunc_end2:
_tile_overlayer_lowered:
.L_overlay_start_2:
0xc8: {  	(tag) =	ssettag $0x2  }
0xc9: {  	s0 =	rddreg [dreg:$0x0];
	s2 =	stileid.u32  }
0xca: {  	s1 =	rddreg [dreg:$0x1];
	p0 =	sne.s32 s2, $0x0  }
0xcb: {  	s3 =	rddreg [dreg:$0x2];
	[bflag:$0x3] =	sbarrier.arrive $0xFFFF;
	s2 =	simm.s32 @!p0 $0x1C05  }
0xcc: {  	[timem:s3], [sflag:s2] =	dma.local @!p0 [hbm:s0], s1  }
0xcd: {  	s0 =	simm.s32 @!p0 $0x5  }
0xce: {  	_ =	swait.ge @!p0 [sflag:s0], s1  }
0xcf: {  	s1 =	ssub.s32 @!p0 $0x0, s1;
	[sflag:s0] =	ssyncset.done @!p0 $0x0  }
0xd0: {  	[sflag:s0] =	ssyncadd.s32 @!p0 s1  }
0xd1: {  	[bflag:$0x3] =	sbarrier.arrive $0xFFFF  }
0xd2: {  	_ =	shalt  }

</sc_bundles>
